<compile_context>
chip_gen: v7x
topology: tpu7x:2x2x1
jax: 0.10.2.dev20260603
libtpu: 0.0.44.dev20260713+nightly
codegen_flags: <defaults>
</compile_context>

<pallas_src>
import functools

import jax
import jax.numpy as jnp
from jax import lax
from jax.experimental import pallas as pl
from jax.experimental.pallas import tpu as pltpu
from jax.experimental.pallas import tpu_sc as plsc

B = 16384
D = 64
NC = 2
NS = 16
NW = NC * NS
BPW = B // NW
L = 16
CHUNKS = D // L
G = 256

_mesh = plsc.VectorSubcoreMesh(core_axis_name="c", subcore_axis_name="s")


@functools.partial(
    pl.kernel,
    mesh=_mesh,
    compiler_params=pltpu.CompilerParams(needs_layout_passes=False),
    out_type=jax.ShapeDtypeStruct((NW * L,), jnp.float32),
    scratch_types=[
        pltpu.VMEM((BPW,), jnp.int32),
        pltpu.VMEM((G, D), jnp.float32),
        pltpu.VMEM((G, D), jnp.float32),
        pltpu.VMEM((G, D), jnp.float32),
        pltpu.VMEM((L,), jnp.float32),
        pltpu.SemaphoreType.DMA,
        pltpu.SemaphoreType.DMA,
        pltpu.SemaphoreType.DMA,
    ],
)
def _proto_loss_partials(feat_hbm, lab_hbm, proto_hbm, out_hbm,
                         idx_v, rows0, rows1, feat_v, acc_v,
                         gsem0, gsem1, fsem):
    wid = lax.axis_index("s") * NC + lax.axis_index("c")
    base = wid * BPW

    pltpu.sync_copy(lab_hbm.at[pl.ds(base, BPW)], idx_v)

    fcopy = pltpu.async_copy(feat_hbm.at[pl.ds(base, G), :], feat_v, fsem)

    def fire0(j, _):
        idxs = idx_v[pl.ds(j * L, L)]
        for k in range(L):
            pltpu.async_copy(proto_hbm.at[idxs[k], :],
                             rows0.at[j * L + k], gsem0)
        return 0

    lax.fori_loop(0, G // L, fire0, 0)

    def fire1(j, _):
        idxs = idx_v[pl.ds(G + j * L, L)]
        for k in range(L):
            pltpu.async_copy(proto_hbm.at[idxs[k], :],
                             rows1.at[j * L + k], gsem1)
        return 0

    lax.fori_loop(0, G // L, fire1, 0)

    zero = jnp.zeros((L,), jnp.float32)
    accs = (zero,) * CHUNKS
    for g, (rows_v, gsem) in enumerate(((rows0, gsem0), (rows1, gsem1))):

        pltpu.make_async_copy(feat_hbm.at[pl.ds(0, G), :], rows_v,
                              gsem).wait()
        fcopy.wait()

        def body(i, a):
            new = []
            for c in range(CHUNKS):
                f = feat_v[i, pl.ds(c * L, L)]
                p = rows_v[i, pl.ds(c * L, L)]
                d = f - p
                new.append(a[c] + d * d)
            return tuple(new)

        accs = lax.fori_loop(0, G, body, accs)

        if g == 0:
            fcopy = pltpu.async_copy(feat_hbm.at[pl.ds(base + G, G), :],
                                     feat_v, fsem)

    acc_v[...] = (accs[0] + accs[1]) + (accs[2] + accs[3])
    pltpu.sync_copy(acc_v, out_hbm.at[pl.ds(wid * L, L)])


def kernel(features, labels, prototypes):
    partials = _proto_loss_partials(features, labels.astype(jnp.int32),
                                    prototypes)
    return jnp.sum(partials) * (1.0 / (B * D))

# --- scband reference (transcript-rebuilt; emitter-appended) ---
"""Pipeline reference for scband-prototype-loss-19834158973311 (READ-ONLY COPY).

The authoritative reference and input builder live on the scoring server;
editing this copy changes nothing except your own understanding.
"""

import jax, jax.numpy as jnp
import numpy as np


def setup_inputs(seed: int = 0) -> dict:
    key = jax.random.key(seed)
    k1, k2, k3 = jax.random.split(key, 3)
    features = jax.random.normal(k1, (16384, 64), dtype=jnp.float32)
    labels = jax.random.randint(k2, (16384,), 0, 100000, dtype=jnp.int64 if jax.config.jax_enable_x64 else jnp.int32)
    prototypes = jax.random.normal(k3, (100000, 64), dtype=jnp.float32)
    return {"features": features, "labels": labels, "prototypes": prototypes}


def reference(features, labels, prototypes):
    # target_proto = prototypes[labels]  (gather over prototype table)
    target_proto = jnp.take(prototypes, labels, axis=0)
    return jnp.mean((features - target_proto) ** 2)

if __name__ == "__main__":
    import jax
    _d = setup_inputs()
    print(jax.jit(kernel)(*tuple(_d.values())))

</pallas_src>

<mosaic_0001>
#map = affine_map<(d0, d1) -> (0, 0)>
#map1 = affine_map<(d0, d1) -> (0)>
module attributes {stable_mosaic.version = 14 : i64} {
  func.func @_proto_loss_partials(%arg0: i32, %arg1: i32, %arg2: memref<16384x64xf32, #tpu.memory_space<hbm>>, %arg3: memref<16384xi32, #tpu.memory_space<hbm>>, %arg4: memref<100000x64xf32, #tpu.memory_space<hbm>>, %arg5: memref<512xf32, #tpu.memory_space<hbm>>, %arg6: memref<512xi32, #tpu.memory_space<vmem>>, %arg7: memref<256x64xf32, #tpu.memory_space<vmem>>, %arg8: memref<256x64xf32, #tpu.memory_space<vmem>>, %arg9: memref<256x64xf32, #tpu.memory_space<vmem>>, %arg10: memref<16xf32, #tpu.memory_space<vmem>>, %arg11: memref<!tpu.dma_semaphore, #tpu.memory_space<semaphore_mem>>, %arg12: memref<!tpu.dma_semaphore, #tpu.memory_space<semaphore_mem>>, %arg13: memref<!tpu.dma_semaphore, #tpu.memory_space<semaphore_mem>>) attributes {dimension_semantics = [#tpu.dimension_semantics<core_parallel>, #tpu.dimension_semantics<subcore_parallel>], iteration_bounds = array<i64: 2, 16>, scalar_prefetch = 0 : i64, scratch_operands = 8 : i64, tpu.core_type = #tpu.core_type<sc_vector_subcore>, window_params = [{transform_indices = #map}, {transform_indices = #map1}, {transform_indices = #map}, {transform_indices = #map1}]} {
    %mul3A = arith.constant 2 : i32
    %mul3A_0 = arith.muli %arg1, %mul3A : i32
    %add3A = arith.addi %mul3A_0, %arg0 : i32
    %mul3A_1 = arith.constant 512 : i32
    %mul3A_2 = arith.muli %add3A, %mul3A_1 : i32
    "tpu.region"() ({
      %run_scoped3A = tpu.sem_alloc : memref<!tpu.dma_semaphore, #tpu.memory_space<semaphore_mem>>
      %dma_start3A_63 = tpu.memref_slice %arg3[%mul3A_2] : memref<16384xi32, #tpu.memory_space<hbm>> -> memref<512xi32, #tpu.memory_space<hbm>>
      %dma_start3A_64 = tpu.memref_slice %arg3[%mul3A_2] : memref<16384xi32, #tpu.memory_space<hbm>> -> memref<512xi32, #tpu.memory_space<hbm>>
      tpu.enqueue_dma source(%dma_start3A_64 : memref<512xi32, #tpu.memory_space<hbm>>) target(%arg6 : memref<512xi32, #tpu.memory_space<vmem>>) target_semaphore(%run_scoped3A : memref<!tpu.dma_semaphore, #tpu.memory_space<semaphore_mem>>)
      %dma_wait3A_65 = tpu.memref_slice %arg3[%mul3A_2] : memref<16384xi32, #tpu.memory_space<hbm>> -> memref<512xi32, #tpu.memory_space<hbm>>
      %dma_wait3A_66 = tpu.memref_slice %arg3[%mul3A_2] : memref<16384xi32, #tpu.memory_space<hbm>> -> memref<512xi32, #tpu.memory_space<hbm>>
      tpu.wait_dma2 semaphore(%run_scoped3A : memref<!tpu.dma_semaphore, #tpu.memory_space<semaphore_mem>>) src(%dma_wait3A_66 : memref<512xi32, #tpu.memory_space<hbm>>) dst(%arg6 : memref<512xi32, #tpu.memory_space<vmem>>)
      tpu.yield
    }) : () -> ()
    %dma_start3A = arith.constant 0 : i32
    %dma_start3A_3 = tpu.memref_slice %arg2[%mul3A_2, %dma_start3A] : memref<16384x64xf32, #tpu.memory_space<hbm>> -> memref<256x64xf32, #tpu.memory_space<hbm>>
    %dma_start3A_4 = arith.constant 0 : i32
    %dma_start3A_5 = tpu.memref_slice %arg2[%mul3A_2, %dma_start3A_4] : memref<16384x64xf32, #tpu.memory_space<hbm>> -> memref<256x64xf32, #tpu.memory_space<hbm>>
    tpu.enqueue_dma source(%dma_start3A_5 : memref<256x64xf32, #tpu.memory_space<hbm>>) target(%arg9 : memref<256x64xf32, #tpu.memory_space<vmem>>) target_semaphore(%arg13 : memref<!tpu.dma_semaphore, #tpu.memory_space<semaphore_mem>>)
    %scan3A = arith.constant 0 : i32
    %scan3A_6 = arith.constant 0 : i32
    %scan3A_7 = arith.constant 16 : i32
    %scan3A_8 = arith.addi %scan3A_6, %scan3A_7 : i32
    %scan3A_9 = arith.constant 1 : i32
    %scan3A_10 = scf.for %scan3A_63 = %scan3A_6 to %scan3A_8 step %scan3A_9 iter_args(%scan3A_64 = %scan3A) -> (i32)  : i32 {
      %mul3A_65 = arith.constant 16 : i32
      %mul3A_66 = arith.muli %scan3A_63, %mul3A_65 : i32
      %get3A = arith.index_cast %mul3A_66 : i32 to index
      %get3A_67 = tpu.vector_load %arg6[%get3A] {strides = array<i32>} : memref<512xi32, #tpu.memory_space<vmem>>, vector<16xi32>,
      %slice3A = vector.extract_strided_slice %get3A_67 {offsets = [0], sizes = [1], strides = [1]} : vector<16xi32> to vector<1xi32>
      %squeeze3A = vector.extract %slice3A[0] : i32 from vector<1xi32>
      %mul3A_68 = arith.constant 16 : i32
      %mul3A_69 = arith.muli %scan3A_63, %mul3A_68 : i32
      %add3A_70 = arith.constant 0 : i32
      %add3A_71 = arith.addi %mul3A_69, %add3A_70 : i32
      %dma_start3A_72 = arith.constant 0 : i32
      %dma_start3A_73 = tpu.memref_slice %arg7[%add3A_71, %dma_start3A_72] : memref<256x64xf32, #tpu.memory_space<vmem>> -> memref<1x64xf32, #tpu.memory_space<vmem>>
      %dma_start3A_74 = tpu.memref_squeeze %dma_start3A_73 : memref<1x64xf32, #tpu.memory_space<vmem>> -> memref<64xf32, #tpu.memory_space<vmem>>
      %dma_start3A_75 = arith.constant 0 : i32
      %dma_start3A_76 = tpu.memref_slice %arg4[%squeeze3A, %dma_start3A_75] : memref<100000x64xf32, #tpu.memory_space<hbm>> -> memref<1x64xf32, #tpu.memory_space<hbm>>
      %dma_start3A_77 = tpu.memref_squeeze %dma_start3A_76 : memref<1x64xf32, #tpu.memory_space<hbm>> -> memref<64xf32, #tpu.memory_space<hbm>>
      %dma_start3A_78 = arith.constant 0 : i32
      %dma_start3A_79 = tpu.memref_slice %arg7[%add3A_71, %dma_start3A_78] : memref<256x64xf32, #tpu.memory_space<vmem>> -> memref<1x64xf32, #tpu.memory_space<vmem>>
      %dma_start3A_80 = tpu.memref_squeeze %dma_start3A_79 : memref<1x64xf32, #tpu.memory_space<vmem>> -> memref<64xf32, #tpu.memory_space<vmem>>
      %dma_start3A_81 = arith.constant 0 : i32
      %dma_start3A_82 = tpu.memref_slice %arg4[%squeeze3A, %dma_start3A_81] : memref<100000x64xf32, #tpu.memory_space<hbm>> -> memref<1x64xf32, #tpu.memory_space<hbm>>
      %dma_start3A_83 = tpu.memref_squeeze %dma_start3A_82 : memref<1x64xf32, #tpu.memory_space<hbm>> -> memref<64xf32, #tpu.memory_space<hbm>>
      tpu.enqueue_dma source(%dma_start3A_83 : memref<64xf32, #tpu.memory_space<hbm>>) target(%dma_start3A_80 : memref<64xf32, #tpu.memory_space<vmem>>) target_semaphore(%arg11 : memref<!tpu.dma_semaphore, #tpu.memory_space<semaphore_mem>>)
      %slice3A_84 = vector.extract_strided_slice %get3A_67 {offsets = [1], sizes = [1], strides = [1]} : vector<16xi32> to vector<1xi32>
      %squeeze3A_85 = vector.extract %slice3A_84[0] : i32 from vector<1xi32>
      %mul3A_86 = arith.constant 16 : i32
      %mul3A_87 = arith.muli %scan3A_63, %mul3A_86 : i32
      %add3A_88 = arith.constant 1 : i32
      %add3A_89 = arith.addi %mul3A_87, %add3A_88 : i32
      %dma_start3A_90 = arith.constant 0 : i32
      %dma_start3A_91 = tpu.memref_slice %arg7[%add3A_89, %dma_start3A_90] : memref<256x64xf32, #tpu.memory_space<vmem>> -> memref<1x64xf32, #tpu.memory_space<vmem>>
      %dma_start3A_92 = tpu.memref_squeeze %dma_start3A_91 : memref<1x64xf32, #tpu.memory_space<vmem>> -> memref<64xf32, #tpu.memory_space<vmem>>
      %dma_start3A_93 = arith.constant 0 : i32
      %dma_start3A_94 = tpu.memref_slice %arg4[%squeeze3A_85, %dma_start3A_93] : memref<100000x64xf32, #tpu.memory_space<hbm>> -> memref<1x64xf32, #tpu.memory_space<hbm>>
      %dma_start3A_95 = tpu.memref_squeeze %dma_start3A_94 : memref<1x64xf32, #tpu.memory_space<hbm>> -> memref<64xf32, #tpu.memory_space<hbm>>
      %dma_start3A_96 = arith.constant 0 : i32
      %dma_start3A_97 = tpu.memref_slice %arg7[%add3A_89, %dma_start3A_96] : memref<256x64xf32, #tpu.memory_space<vmem>> -> memref<1x64xf32, #tpu.memory_space<vmem>>
      %dma_start3A_98 = tpu.memref_squeeze %dma_start3A_97 : memref<1x64xf32, #tpu.memory_space<vmem>> -> memref<64xf32, #tpu.memory_space<vmem>>
      %dma_start3A_99 = arith.constant 0 : i32
      %dma_start3A_100 = tpu.memref_slice %arg4[%squeeze3A_85, %dma_start3A_99] : memref<100000x64xf32, #tpu.memory_space<hbm>> -> memref<1x64xf32, #tpu.memory_space<hbm>>
      %dma_start3A_101 = tpu.memref_squeeze %dma_start3A_100 : memref<1x64xf32, #tpu.memory_space<hbm>> -> memref<64xf32, #tpu.memory_space<hbm>>
      tpu.enqueue_dma source(%dma_start3A_101 : memref<64xf32, #tpu.memory_space<hbm>>) target(%dma_start3A_98 : memref<64xf32, #tpu.memory_space<vmem>>) target_semaphore(%arg11 : memref<!tpu.dma_semaphore, #tpu.memory_space<semaphore_mem>>)
      %slice3A_102 = vector.extract_strided_slice %get3A_67 {offsets = [2], sizes = [1], strides = [1]} : vector<16xi32> to vector<1xi32>
      %squeeze3A_103 = vector.extract %slice3A_102[0] : i32 from vector<1xi32>
      %mul3A_104 = arith.constant 16 : i32
      %mul3A_105 = arith.muli %scan3A_63, %mul3A_104 : i32
      %add3A_106 = arith.constant 2 : i32
      %add3A_107 = arith.addi %mul3A_105, %add3A_106 : i32
      %dma_start3A_108 = arith.constant 0 : i32
      %dma_start3A_109 = tpu.memref_slice %arg7[%add3A_107, %dma_start3A_108] : memref<256x64xf32, #tpu.memory_space<vmem>> -> memref<1x64xf32, #tpu.memory_space<vmem>>
      %dma_start3A_110 = tpu.memref_squeeze %dma_start3A_109 : memref<1x64xf32, #tpu.memory_space<vmem>> -> memref<64xf32, #tpu.memory_space<vmem>>
      %dma_start3A_111 = arith.constant 0 : i32
      %dma_start3A_112 = tpu.memref_slice %arg4[%squeeze3A_103, %dma_start3A_111] : memref<100000x64xf32, #tpu.memory_space<hbm>> -> memref<1x64xf32, #tpu.memory_space<hbm>>
      %dma_start3A_113 = tpu.memref_squeeze %dma_start3A_112 : memref<1x64xf32, #tpu.memory_space<hbm>> -> memref<64xf32, #tpu.memory_space<hbm>>
      %dma_start3A_114 = arith.constant 0 : i32
      %dma_start3A_115 = tpu.memref_slice %arg7[%add3A_107, %dma_start3A_114] : memref<256x64xf32, #tpu.memory_space<vmem>> -> memref<1x64xf32, #tpu.memory_space<vmem>>
      %dma_start3A_116 = tpu.memref_squeeze %dma_start3A_115 : memref<1x64xf32, #tpu.memory_space<vmem>> -> memref<64xf32, #tpu.memory_space<vmem>>
      %dma_start3A_117 = arith.constant 0 : i32
      %dma_start3A_118 = tpu.memref_slice %arg4[%squeeze3A_103, %dma_start3A_117] : memref<100000x64xf32, #tpu.memory_space<hbm>> -> memref<1x64xf32, #tpu.memory_space<hbm>>
      %dma_start3A_119 = tpu.memref_squeeze %dma_start3A_118 : memref<1x64xf32, #tpu.memory_space<hbm>> -> memref<64xf32, #tpu.memory_space<hbm>>
      tpu.enqueue_dma source(%dma_start3A_119 : memref<64xf32, #tpu.memory_space<hbm>>) target(%dma_start3A_116 : memref<64xf32, #tpu.memory_space<vmem>>) target_semaphore(%arg11 : memref<!tpu.dma_semaphore, #tpu.memory_space<semaphore_mem>>)
      %slice3A_120 = vector.extract_strided_slice %get3A_67 {offsets = [3], sizes = [1], strides = [1]} : vector<16xi32> to vector<1xi32>
      %squeeze3A_121 = vector.extract %slice3A_120[0] : i32 from vector<1xi32>
      %mul3A_122 = arith.constant 16 : i32
      %mul3A_123 = arith.muli %scan3A_63, %mul3A_122 : i32
      %add3A_124 = arith.constant 3 : i32
      %add3A_125 = arith.addi %mul3A_123, %add3A_124 : i32
      %dma_start3A_126 = arith.constant 0 : i32
      %dma_start3A_127 = tpu.memref_slice %arg7[%add3A_125, %dma_start3A_126] : memref<256x64xf32, #tpu.memory_space<vmem>> -> memref<1x64xf32, #tpu.memory_space<vmem>>
      %dma_start3A_128 = tpu.memref_squeeze %dma_start3A_127 : memref<1x64xf32, #tpu.memory_space<vmem>> -> memref<64xf32, #tpu.memory_space<vmem>>
      %dma_start3A_129 = arith.constant 0 : i32
      %dma_start3A_130 = tpu.memref_slice %arg4[%squeeze3A_121, %dma_start3A_129] : memref<100000x64xf32, #tpu.memory_space<hbm>> -> memref<1x64xf32, #tpu.memory_space<hbm>>
      %dma_start3A_131 = tpu.memref_squeeze %dma_start3A_130 : memref<1x64xf32, #tpu.memory_space<hbm>> -> memref<64xf32, #tpu.memory_space<hbm>>
      %dma_start3A_132 = arith.constant 0 : i32
      %dma_start3A_133 = tpu.memref_slice %arg7[%add3A_125, %dma_start3A_132] : memref<256x64xf32, #tpu.memory_space<vmem>> -> memref<1x64xf32, #tpu.memory_space<vmem>>
      %dma_start3A_134 = tpu.memref_squeeze %dma_start3A_133 : memref<1x64xf32, #tpu.memory_space<vmem>> -> memref<64xf32, #tpu.memory_space<vmem>>
      %dma_start3A_135 = arith.constant 0 : i32
      %dma_start3A_136 = tpu.memref_slice %arg4[%squeeze3A_121, %dma_start3A_135] : memref<100000x64xf32, #tpu.memory_space<hbm>> -> memref<1x64xf32, #tpu.memory_space<hbm>>
      %dma_start3A_137 = tpu.memref_squeeze %dma_start3A_136 : memref<1x64xf32, #tpu.memory_space<hbm>> -> memref<64xf32, #tpu.memory_space<hbm>>
      tpu.enqueue_dma source(%dma_start3A_137 : memref<64xf32, #tpu.memory_space<hbm>>) target(%dma_start3A_134 : memref<64xf32, #tpu.memory_space<vmem>>) target_semaphore(%arg11 : memref<!tpu.dma_semaphore, #tpu.memory_space<semaphore_mem>>)
      %slice3A_138 = vector.extract_strided_slice %get3A_67 {offsets = [4], sizes = [1], strides = [1]} : vector<16xi32> to vector<1xi32>
      %squeeze3A_139 = vector.extract %slice3A_138[0] : i32 from vector<1xi32>
      %mul3A_140 = arith.constant 16 : i32
      %mul3A_141 = arith.muli %scan3A_63, %mul3A_140 : i32
      %add3A_142 = arith.constant 4 : i32
      %add3A_143 = arith.addi %mul3A_141, %add3A_142 : i32
      %dma_start3A_144 = arith.constant 0 : i32
      %dma_start3A_145 = tpu.memref_slice %arg7[%add3A_143, %dma_start3A_144] : memref<256x64xf32, #tpu.memory_space<vmem>> -> memref<1x64xf32, #tpu.memory_space<vmem>>
      %dma_start3A_146 = tpu.memref_squeeze %dma_start3A_145 : memref<1x64xf32, #tpu.memory_space<vmem>> -> memref<64xf32, #tpu.memory_space<vmem>>
      %dma_start3A_147 = arith.constant 0 : i32
      %dma_start3A_148 = tpu.memref_slice %arg4[%squeeze3A_139, %dma_start3A_147] : memref<100000x64xf32, #tpu.memory_space<hbm>> -> memref<1x64xf32, #tpu.memory_space<hbm>>
      %dma_start3A_149 = tpu.memref_squeeze %dma_start3A_148 : memref<1x64xf32, #tpu.memory_space<hbm>> -> memref<64xf32, #tpu.memory_space<hbm>>
      %dma_start3A_150 = arith.constant 0 : i32
      %dma_start3A_151 = tpu.memref_slice %arg7[%add3A_143, %dma_start3A_150] : memref<256x64xf32, #tpu.memory_space<vmem>> -> memref<1x64xf32, #tpu.memory_space<vmem>>
      %dma_start3A_152 = tpu.memref_squeeze %dma_start3A_151 : memref<1x64xf32, #tpu.memory_space<vmem>> -> memref<64xf32, #tpu.memory_space<vmem>>
      %dma_start3A_153 = arith.constant 0 : i32
      %dma_start3A_154 = tpu.memref_slice %arg4[%squeeze3A_139, %dma_start3A_153] : memref<100000x64xf32, #tpu.memory_space<hbm>> -> memref<1x64xf32, #tpu.memory_space<hbm>>
      %dma_start3A_155 = tpu.memref_squeeze %dma_start3A_154 : memref<1x64xf32, #tpu.memory_space<hbm>> -> memref<64xf32, #tpu.memory_space<hbm>>
      tpu.enqueue_dma source(%dma_start3A_155 : memref<64xf32, #tpu.memory_space<hbm>>) target(%dma_start3A_152 : memref<64xf32, #tpu.memory_space<vmem>>) target_semaphore(%arg11 : memref<!tpu.dma_semaphore, #tpu.memory_space<semaphore_mem>>)
      %slice3A_156 = vector.extract_strided_slice %get3A_67 {offsets = [5], sizes = [1], strides = [1]} : vector<16xi32> to vector<1xi32>
      %squeeze3A_157 = vector.extract %slice3A_156[0] : i32 from vector<1xi32>
      %mul3A_158 = arith.constant 16 : i32
      %mul3A_159 = arith.muli %scan3A_63, %mul3A_158 : i32
      %add3A_160 = arith.constant 5 : i32
      %add3A_161 = arith.addi %mul3A_159, %add3A_160 : i32
      %dma_start3A_162 = arith.constant 0 : i32
      %dma_start3A_163 = tpu.memref_slice %arg7[%add3A_161, %dma_start3A_162] : memref<256x64xf32, #tpu.memory_space<vmem>> -> memref<1x64xf32, #tpu.memory_space<vmem>>
      %dma_start3A_164 = tpu.memref_squeeze %dma_start3A_163 : memref<1x64xf32, #tpu.memory_space<vmem>> -> memref<64xf32, #tpu.memory_space<vmem>>
      %dma_start3A_165 = arith.constant 0 : i32
      %dma_start3A_166 = tpu.memref_slice %arg4[%squeeze3A_157, %dma_start3A_165] : memref<100000x64xf32, #tpu.memory_space<hbm>> -> memref<1x64xf32, #tpu.memory_space<hbm>>
      %dma_start3A_167 = tpu.memref_squeeze %dma_start3A_166 : memref<1x64xf32, #tpu.memory_space<hbm>> -> memref<64xf32, #tpu.memory_space<hbm>>
      %dma_start3A_168 = arith.constant 0 : i32
      %dma_start3A_169 = tpu.memref_slice %arg7[%add3A_161, %dma_start3A_168] : memref<256x64xf32, #tpu.memory_space<vmem>> -> memref<1x64xf32, #tpu.memory_space<vmem>>
      %dma_start3A_170 = tpu.memref_squeeze %dma_start3A_169 : memref<1x64xf32, #tpu.memory_space<vmem>> -> memref<64xf32, #tpu.memory_space<vmem>>
      %dma_start3A_171 = arith.constant 0 : i32
      %dma_start3A_172 = tpu.memref_slice %arg4[%squeeze3A_157, %dma_start3A_171] : memref<100000x64xf32, #tpu.memory_space<hbm>> -> memref<1x64xf32, #tpu.memory_space<hbm>>
      %dma_start3A_173 = tpu.memref_squeeze %dma_start3A_172 : memref<1x64xf32, #tpu.memory_space<hbm>> -> memref<64xf32, #tpu.memory_space<hbm>>
      tpu.enqueue_dma source(%dma_start3A_173 : memref<64xf32, #tpu.memory_space<hbm>>) target(%dma_start3A_170 : memref<64xf32, #tpu.memory_space<vmem>>) target_semaphore(%arg11 : memref<!tpu.dma_semaphore, #tpu.memory_space<semaphore_mem>>)
      %slice3A_174 = vector.extract_strided_slice %get3A_67 {offsets = [6], sizes = [1], strides = [1]} : vector<16xi32> to vector<1xi32>
      %squeeze3A_175 = vector.extract %slice3A_174[0] : i32 from vector<1xi32>
      %mul3A_176 = arith.constant 16 : i32
      %mul3A_177 = arith.muli %scan3A_63, %mul3A_176 : i32
      %add3A_178 = arith.constant 6 : i32
      %add3A_179 = arith.addi %mul3A_177, %add3A_178 : i32
      %dma_start3A_180 = arith.constant 0 : i32
      %dma_start3A_181 = tpu.memref_slice %arg7[%add3A_179, %dma_start3A_180] : memref<256x64xf32, #tpu.memory_space<vmem>> -> memref<1x64xf32, #tpu.memory_space<vmem>>
      %dma_start3A_182 = tpu.memref_squeeze %dma_start3A_181 : memref<1x64xf32, #tpu.memory_space<vmem>> -> memref<64xf32, #tpu.memory_space<vmem>>
      %dma_start3A_183 = arith.constant 0 : i32
      %dma_start3A_184 = tpu.memref_slice %arg4[%squeeze3A_175, %dma_start3A_183] : memref<100000x64xf32, #tpu.memory_space<hbm>> -> memref<1x64xf32, #tpu.memory_space<hbm>>
      %dma_start3A_185 = tpu.memref_squeeze %dma_start3A_184 : memref<1x64xf32, #tpu.memory_space<hbm>> -> memref<64xf32, #tpu.memory_space<hbm>>
      %dma_start3A_186 = arith.constant 0 : i32
      %dma_start3A_187 = tpu.memref_slice %arg7[%add3A_179, %dma_start3A_186] : memref<256x64xf32, #tpu.memory_space<vmem>> -> memref<1x64xf32, #tpu.memory_space<vmem>>
      %dma_start3A_188 = tpu.memref_squeeze %dma_start3A_187 : memref<1x64xf32, #tpu.memory_space<vmem>> -> memref<64xf32, #tpu.memory_space<vmem>>
      %dma_start3A_189 = arith.constant 0 : i32
      %dma_start3A_190 = tpu.memref_slice %arg4[%squeeze3A_175, %dma_start3A_189] : memref<100000x64xf32, #tpu.memory_space<hbm>> -> memref<1x64xf32, #tpu.memory_space<hbm>>
      %dma_start3A_191 = tpu.memref_squeeze %dma_start3A_190 : memref<1x64xf32, #tpu.memory_space<hbm>> -> memref<64xf32, #tpu.memory_space<hbm>>
      tpu.enqueue_dma source(%dma_start3A_191 : memref<64xf32, #tpu.memory_space<hbm>>) target(%dma_start3A_188 : memref<64xf32, #tpu.memory_space<vmem>>) target_semaphore(%arg11 : memref<!tpu.dma_semaphore, #tpu.memory_space<semaphore_mem>>)
      %slice3A_192 = vector.extract_strided_slice %get3A_67 {offsets = [7], sizes = [1], strides = [1]} : vector<16xi32> to vector<1xi32>
      %squeeze3A_193 = vector.extract %slice3A_192[0] : i32 from vector<1xi32>
      %mul3A_194 = arith.constant 16 : i32
      %mul3A_195 = arith.muli %scan3A_63, %mul3A_194 : i32
      %add3A_196 = arith.constant 7 : i32
      %add3A_197 = arith.addi %mul3A_195, %add3A_196 : i32
      %dma_start3A_198 = arith.constant 0 : i32
      %dma_start3A_199 = tpu.memref_slice %arg7[%add3A_197, %dma_start3A_198] : memref<256x64xf32, #tpu.memory_space<vmem>> -> memref<1x64xf32, #tpu.memory_space<vmem>>
      %dma_start3A_200 = tpu.memref_squeeze %dma_start3A_199 : memref<1x64xf32, #tpu.memory_space<vmem>> -> memref<64xf32, #tpu.memory_space<vmem>>
      %dma_start3A_201 = arith.constant 0 : i32
      %dma_start3A_202 = tpu.memref_slice %arg4[%squeeze3A_193, %dma_start3A_201] : memref<100000x64xf32, #tpu.memory_space<hbm>> -> memref<1x64xf32, #tpu.memory_space<hbm>>
      %dma_start3A_203 = tpu.memref_squeeze %dma_start3A_202 : memref<1x64xf32, #tpu.memory_space<hbm>> -> memref<64xf32, #tpu.memory_space<hbm>>
      %dma_start3A_204 = arith.constant 0 : i32
      %dma_start3A_205 = tpu.memref_slice %arg7[%add3A_197, %dma_start3A_204] : memref<256x64xf32, #tpu.memory_space<vmem>> -> memref<1x64xf32, #tpu.memory_space<vmem>>
      %dma_start3A_206 = tpu.memref_squeeze %dma_start3A_205 : memref<1x64xf32, #tpu.memory_space<vmem>> -> memref<64xf32, #tpu.memory_space<vmem>>
      %dma_start3A_207 = arith.constant 0 : i32
      %dma_start3A_208 = tpu.memref_slice %arg4[%squeeze3A_193, %dma_start3A_207] : memref<100000x64xf32, #tpu.memory_space<hbm>> -> memref<1x64xf32, #tpu.memory_space<hbm>>
      %dma_start3A_209 = tpu.memref_squeeze %dma_start3A_208 : memref<1x64xf32, #tpu.memory_space<hbm>> -> memref<64xf32, #tpu.memory_space<hbm>>
      tpu.enqueue_dma source(%dma_start3A_209 : memref<64xf32, #tpu.memory_space<hbm>>) target(%dma_start3A_206 : memref<64xf32, #tpu.memory_space<vmem>>) target_semaphore(%arg11 : memref<!tpu.dma_semaphore, #tpu.memory_space<semaphore_mem>>)
      %slice3A_210 = vector.extract_strided_slice %get3A_67 {offsets = [8], sizes = [1], strides = [1]} : vector<16xi32> to vector<1xi32>
      %squeeze3A_211 = vector.extract %slice3A_210[0] : i32 from vector<1xi32>
      %mul3A_212 = arith.constant 16 : i32
      %mul3A_213 = arith.muli %scan3A_63, %mul3A_212 : i32
      %add3A_214 = arith.constant 8 : i32
      %add3A_215 = arith.addi %mul3A_213, %add3A_214 : i32
      %dma_start3A_216 = arith.constant 0 : i32
      %dma_start3A_217 = tpu.memref_slice %arg7[%add3A_215, %dma_start3A_216] : memref<256x64xf32, #tpu.memory_space<vmem>> -> memref<1x64xf32, #tpu.memory_space<vmem>>
      %dma_start3A_218 = tpu.memref_squeeze %dma_start3A_217 : memref<1x64xf32, #tpu.memory_space<vmem>> -> memref<64xf32, #tpu.memory_space<vmem>>
      %dma_start3A_219 = arith.constant 0 : i32
      %dma_start3A_220 = tpu.memref_slice %arg4[%squeeze3A_211, %dma_start3A_219] : memref<100000x64xf32, #tpu.memory_space<hbm>> -> memref<1x64xf32, #tpu.memory_space<hbm>>
      %dma_start3A_221 = tpu.memref_squeeze %dma_start3A_220 : memref<1x64xf32, #tpu.memory_space<hbm>> -> memref<64xf32, #tpu.memory_space<hbm>>
      %dma_start3A_222 = arith.constant 0 : i32
      %dma_start3A_223 = tpu.memref_slice %arg7[%add3A_215, %dma_start3A_222] : memref<256x64xf32, #tpu.memory_space<vmem>> -> memref<1x64xf32, #tpu.memory_space<vmem>>
      %dma_start3A_224 = tpu.memref_squeeze %dma_start3A_223 : memref<1x64xf32, #tpu.memory_space<vmem>> -> memref<64xf32, #tpu.memory_space<vmem>>
      %dma_start3A_225 = arith.constant 0 : i32
      %dma_start3A_226 = tpu.memref_slice %arg4[%squeeze3A_211, %dma_start3A_225] : memref<100000x64xf32, #tpu.memory_space<hbm>> -> memref<1x64xf32, #tpu.memory_space<hbm>>
      %dma_start3A_227 = tpu.memref_squeeze %dma_start3A_226 : memref<1x64xf32, #tpu.memory_space<hbm>> -> memref<64xf32, #tpu.memory_space<hbm>>
      tpu.enqueue_dma source(%dma_start3A_227 : memref<64xf32, #tpu.memory_space<hbm>>) target(%dma_start3A_224 : memref<64xf32, #tpu.memory_space<vmem>>) target_semaphore(%arg11 : memref<!tpu.dma_semaphore, #tpu.memory_space<semaphore_mem>>)
      %slice3A_228 = vector.extract_strided_slice %get3A_67 {offsets = [9], sizes = [1], strides = [1]} : vector<16xi32> to vector<1xi32>
      %squeeze3A_229 = vector.extract %slice3A_228[0] : i32 from vector<1xi32>
      %mul3A_230 = arith.constant 16 : i32
      %mul3A_231 = arith.muli %scan3A_63, %mul3A_230 : i32
      %add3A_232 = arith.constant 9 : i32
      %add3A_233 = arith.addi %mul3A_231, %add3A_232 : i32
      %dma_start3A_234 = arith.constant 0 : i32
      %dma_start3A_235 = tpu.memref_slice %arg7[%add3A_233, %dma_start3A_234] : memref<256x64xf32, #tpu.memory_space<vmem>> -> memref<1x64xf32, #tpu.memory_space<vmem>>
      %dma_start3A_236 = tpu.memref_squeeze %dma_start3A_235 : memref<1x64xf32, #tpu.memory_space<vmem>> -> memref<64xf32, #tpu.memory_space<vmem>>
      %dma_start3A_237 = arith.constant 0 : i32
      %dma_start3A_238 = tpu.memref_slice %arg4[%squeeze3A_229, %dma_start3A_237] : memref<100000x64xf32, #tpu.memory_space<hbm>> -> memref<1x64xf32, #tpu.memory_space<hbm>>
      %dma_start3A_239 = tpu.memref_squeeze %dma_start3A_238 : memref<1x64xf32, #tpu.memory_space<hbm>> -> memref<64xf32, #tpu.memory_space<hbm>>
      %dma_start3A_240 = arith.constant 0 : i32
      %dma_start3A_241 = tpu.memref_slice %arg7[%add3A_233, %dma_start3A_240] : memref<256x64xf32, #tpu.memory_space<vmem>> -> memref<1x64xf32, #tpu.memory_space<vmem>>
      %dma_start3A_242 = tpu.memref_squeeze %dma_start3A_241 : memref<1x64xf32, #tpu.memory_space<vmem>> -> memref<64xf32, #tpu.memory_space<vmem>>
      %dma_start3A_243 = arith.constant 0 : i32
      %dma_start3A_244 = tpu.memref_slice %arg4[%squeeze3A_229, %dma_start3A_243] : memref<100000x64xf32, #tpu.memory_space<hbm>> -> memref<1x64xf32, #tpu.memory_space<hbm>>
      %dma_start3A_245 = tpu.memref_squeeze %dma_start3A_244 : memref<1x64xf32, #tpu.memory_space<hbm>> -> memref<64xf32, #tpu.memory_space<hbm>>
      tpu.enqueue_dma source(%dma_start3A_245 : memref<64xf32, #tpu.memory_space<hbm>>) target(%dma_start3A_242 : memref<64xf32, #tpu.memory_space<vmem>>) target_semaphore(%arg11 : memref<!tpu.dma_semaphore, #tpu.memory_space<semaphore_mem>>)
      %slice3A_246 = vector.extract_strided_slice %get3A_67 {offsets = [10], sizes = [1], strides = [1]} : vector<16xi32> to vector<1xi32>
      %squeeze3A_247 = vector.extract %slice3A_246[0] : i32 from vector<1xi32>
      %mul3A_248 = arith.constant 16 : i32
      %mul3A_249 = arith.muli %scan3A_63, %mul3A_248 : i32
      %add3A_250 = arith.constant 10 : i32
      %add3A_251 = arith.addi %mul3A_249, %add3A_250 : i32
      %dma_start3A_252 = arith.constant 0 : i32
      %dma_start3A_253 = tpu.memref_slice %arg7[%add3A_251, %dma_start3A_252] : memref<256x64xf32, #tpu.memory_space<vmem>> -> memref<1x64xf32, #tpu.memory_space<vmem>>
      %dma_start3A_254 = tpu.memref_squeeze %dma_start3A_253 : memref<1x64xf32, #tpu.memory_space<vmem>> -> memref<64xf32, #tpu.memory_space<vmem>>
      %dma_start3A_255 = arith.constant 0 : i32
      %dma_start3A_256 = tpu.memref_slice %arg4[%squeeze3A_247, %dma_start3A_255] : memref<100000x64xf32, #tpu.memory_space<hbm>> -> memref<1x64xf32, #tpu.memory_space<hbm>>
      %dma_start3A_257 = tpu.memref_squeeze %dma_start3A_256 : memref<1x64xf32, #tpu.memory_space<hbm>> -> memref<64xf32, #tpu.memory_space<hbm>>
      %dma_start3A_258 = arith.constant 0 : i32
      %dma_start3A_259 = tpu.memref_slice %arg7[%add3A_251, %dma_start3A_258] : memref<256x64xf32, #tpu.memory_space<vmem>> -> memref<1x64xf32, #tpu.memory_space<vmem>>
      %dma_start3A_260 = tpu.memref_squeeze %dma_start3A_259 : memref<1x64xf32, #tpu.memory_space<vmem>> -> memref<64xf32, #tpu.memory_space<vmem>>
      %dma_start3A_261 = arith.constant 0 : i32
      %dma_start3A_262 = tpu.memref_slice %arg4[%squeeze3A_247, %dma_start3A_261] : memref<100000x64xf32, #tpu.memory_space<hbm>> -> memref<1x64xf32, #tpu.memory_space<hbm>>
      %dma_start3A_263 = tpu.memref_squeeze %dma_start3A_262 : memref<1x64xf32, #tpu.memory_space<hbm>> -> memref<64xf32, #tpu.memory_space<hbm>>
      tpu.enqueue_dma source(%dma_start3A_263 : memref<64xf32, #tpu.memory_space<hbm>>) target(%dma_start3A_260 : memref<64xf32, #tpu.memory_space<vmem>>) target_semaphore(%arg11 : memref<!tpu.dma_semaphore, #tpu.memory_space<semaphore_mem>>)
      %slice3A_264 = vector.extract_strided_slice %get3A_67 {offsets = [11], sizes = [1], strides = [1]} : vector<16xi32> to vector<1xi32>
      %squeeze3A_265 = vector.extract %slice3A_264[0] : i32 from vector<1xi32>
      %mul3A_266 = arith.constant 16 : i32
      %mul3A_267 = arith.muli %scan3A_63, %mul3A_266 : i32
      %add3A_268 = arith.constant 11 : i32
      %add3A_269 = arith.addi %mul3A_267, %add3A_268 : i32
      %dma_start3A_270 = arith.constant 0 : i32
      %dma_start3A_271 = tpu.memref_slice %arg7[%add3A_269, %dma_start3A_270] : memref<256x64xf32, #tpu.memory_space<vmem>> -> memref<1x64xf32, #tpu.memory_space<vmem>>
      %dma_start3A_272 = tpu.memref_squeeze %dma_start3A_271 : memref<1x64xf32, #tpu.memory_space<vmem>> -> memref<64xf32, #tpu.memory_space<vmem>>
      %dma_start3A_273 = arith.constant 0 : i32
      %dma_start3A_274 = tpu.memref_slice %arg4[%squeeze3A_265, %dma_start3A_273] : memref<100000x64xf32, #tpu.memory_space<hbm>> -> memref<1x64xf32, #tpu.memory_space<hbm>>
      %dma_start3A_275 = tpu.memref_squeeze %dma_start3A_274 : memref<1x64xf32, #tpu.memory_space<hbm>> -> memref<64xf32, #tpu.memory_space<hbm>>
      %dma_start3A_276 = arith.constant 0 : i32
      %dma_start3A_277 = tpu.memref_slice %arg7[%add3A_269, %dma_start3A_276] : memref<256x64xf32, #tpu.memory_space<vmem>> -> memref<1x64xf32, #tpu.memory_space<vmem>>
      %dma_start3A_278 = tpu.memref_squeeze %dma_start3A_277 : memref<1x64xf32, #tpu.memory_space<vmem>> -> memref<64xf32, #tpu.memory_space<vmem>>
      %dma_start3A_279 = arith.constant 0 : i32
      %dma_start3A_280 = tpu.memref_slice %arg4[%squeeze3A_265, %dma_start3A_279] : memref<100000x64xf32, #tpu.memory_space<hbm>> -> memref<1x64xf32, #tpu.memory_space<hbm>>
      %dma_start3A_281 = tpu.memref_squeeze %dma_start3A_280 : memref<1x64xf32, #tpu.memory_space<hbm>> -> memref<64xf32, #tpu.memory_space<hbm>>
      tpu.enqueue_dma source(%dma_start3A_281 : memref<64xf32, #tpu.memory_space<hbm>>) target(%dma_start3A_278 : memref<64xf32, #tpu.memory_space<vmem>>) target_semaphore(%arg11 : memref<!tpu.dma_semaphore, #tpu.memory_space<semaphore_mem>>)
      %slice3A_282 = vector.extract_strided_slice %get3A_67 {offsets = [12], sizes = [1], strides = [1]} : vector<16xi32> to vector<1xi32>
      %squeeze3A_283 = vector.extract %slice3A_282[0] : i32 from vector<1xi32>
      %mul3A_284 = arith.constant 16 : i32
      %mul3A_285 = arith.muli %scan3A_63, %mul3A_284 : i32
      %add3A_286 = arith.constant 12 : i32
      %add3A_287 = arith.addi %mul3A_285, %add3A_286 : i32
      %dma_start3A_288 = arith.constant 0 : i32
      %dma_start3A_289 = tpu.memref_slice %arg7[%add3A_287, %dma_start3A_288] : memref<256x64xf32, #tpu.memory_space<vmem>> -> memref<1x64xf32, #tpu.memory_space<vmem>>
      %dma_start3A_290 = tpu.memref_squeeze %dma_start3A_289 : memref<1x64xf32, #tpu.memory_space<vmem>> -> memref<64xf32, #tpu.memory_space<vmem>>
      %dma_start3A_291 = arith.constant 0 : i32
      %dma_start3A_292 = tpu.memref_slice %arg4[%squeeze3A_283, %dma_start3A_291] : memref<100000x64xf32, #tpu.memory_space<hbm>> -> memref<1x64xf32, #tpu.memory_space<hbm>>
      %dma_start3A_293 = tpu.memref_squeeze %dma_start3A_292 : memref<1x64xf32, #tpu.memory_space<hbm>> -> memref<64xf32, #tpu.memory_space<hbm>>
      %dma_start3A_294 = arith.constant 0 : i32
      %dma_start3A_295 = tpu.memref_slice %arg7[%add3A_287, %dma_start3A_294] : memref<256x64xf32, #tpu.memory_space<vmem>> -> memref<1x64xf32, #tpu.memory_space<vmem>>
      %dma_start3A_296 = tpu.memref_squeeze %dma_start3A_295 : memref<1x64xf32, #tpu.memory_space<vmem>> -> memref<64xf32, #tpu.memory_space<vmem>>
      %dma_start3A_297 = arith.constant 0 : i32
      %dma_start3A_298 = tpu.memref_slice %arg4[%squeeze3A_283, %dma_start3A_297] : memref<100000x64xf32, #tpu.memory_space<hbm>> -> memref<1x64xf32, #tpu.memory_space<hbm>>
      %dma_start3A_299 = tpu.memref_squeeze %dma_start3A_298 : memref<1x64xf32, #tpu.memory_space<hbm>> -> memref<64xf32, #tpu.memory_space<hbm>>
      tpu.enqueue_dma source(%dma_start3A_299 : memref<64xf32, #tpu.memory_space<hbm>>) target(%dma_start3A_296 : memref<64xf32, #tpu.memory_space<vmem>>) target_semaphore(%arg11 : memref<!tpu.dma_semaphore, #tpu.memory_space<semaphore_mem>>)
      %slice3A_300 = vector.extract_strided_slice %get3A_67 {offsets = [13], sizes = [1], strides = [1]} : vector<16xi32> to vector<1xi32>
      %squeeze3A_301 = vector.extract %slice3A_300[0] : i32 from vector<1xi32>
      %mul3A_302 = arith.constant 16 : i32
      %mul3A_303 = arith.muli %scan3A_63, %mul3A_302 : i32
      %add3A_304 = arith.constant 13 : i32
      %add3A_305 = arith.addi %mul3A_303, %add3A_304 : i32
      %dma_start3A_306 = arith.constant 0 : i32
      %dma_start3A_307 = tpu.memref_slice %arg7[%add3A_305, %dma_start3A_306] : memref<256x64xf32, #tpu.memory_space<vmem>> -> memref<1x64xf32, #tpu.memory_space<vmem>>
      %dma_start3A_308 = tpu.memref_squeeze %dma_start3A_307 : memref<1x64xf32, #tpu.memory_space<vmem>> -> memref<64xf32, #tpu.memory_space<vmem>>
      %dma_start3A_309 = arith.constant 0 : i32
      %dma_start3A_310 = tpu.memref_slice %arg4[%squeeze3A_301, %dma_start3A_309] : memref<100000x64xf32, #tpu.memory_space<hbm>> -> memref<1x64xf32, #tpu.memory_space<hbm>>
      %dma_start3A_311 = tpu.memref_squeeze %dma_start3A_310 : memref<1x64xf32, #tpu.memory_space<hbm>> -> memref<64xf32, #tpu.memory_space<hbm>>
      %dma_start3A_312 = arith.constant 0 : i32
      %dma_start3A_313 = tpu.memref_slice %arg7[%add3A_305, %dma_start3A_312] : memref<256x64xf32, #tpu.memory_space<vmem>> -> memref<1x64xf32, #tpu.memory_space<vmem>>
      %dma_start3A_314 = tpu.memref_squeeze %dma_start3A_313 : memref<1x64xf32, #tpu.memory_space<vmem>> -> memref<64xf32, #tpu.memory_space<vmem>>
      %dma_start3A_315 = arith.constant 0 : i32
      %dma_start3A_316 = tpu.memref_slice %arg4[%squeeze3A_301, %dma_start3A_315] : memref<100000x64xf32, #tpu.memory_space<hbm>> -> memref<1x64xf32, #tpu.memory_space<hbm>>
      %dma_start3A_317 = tpu.memref_squeeze %dma_start3A_316 : memref<1x64xf32, #tpu.memory_space<hbm>> -> memref<64xf32, #tpu.memory_space<hbm>>
      tpu.enqueue_dma source(%dma_start3A_317 : memref<64xf32, #tpu.memory_space<hbm>>) target(%dma_start3A_314 : memref<64xf32, #tpu.memory_space<vmem>>) target_semaphore(%arg11 : memref<!tpu.dma_semaphore, #tpu.memory_space<semaphore_mem>>)
      %slice3A_318 = vector.extract_strided_slice %get3A_67 {offsets = [14], sizes = [1], strides = [1]} : vector<16xi32> to vector<1xi32>
      %squeeze3A_319 = vector.extract %slice3A_318[0] : i32 from vector<1xi32>
      %mul3A_320 = arith.constant 16 : i32
      %mul3A_321 = arith.muli %scan3A_63, %mul3A_320 : i32
      %add3A_322 = arith.constant 14 : i32
      %add3A_323 = arith.addi %mul3A_321, %add3A_322 : i32
      %dma_start3A_324 = arith.constant 0 : i32
      %dma_start3A_325 = tpu.memref_slice %arg7[%add3A_323, %dma_start3A_324] : memref<256x64xf32, #tpu.memory_space<vmem>> -> memref<1x64xf32, #tpu.memory_space<vmem>>
      %dma_start3A_326 = tpu.memref_squeeze %dma_start3A_325 : memref<1x64xf32, #tpu.memory_space<vmem>> -> memref<64xf32, #tpu.memory_space<vmem>>
      %dma_start3A_327 = arith.constant 0 : i32
      %dma_start3A_328 = tpu.memref_slice %arg4[%squeeze3A_319, %dma_start3A_327] : memref<100000x64xf32, #tpu.memory_space<hbm>> -> memref<1x64xf32, #tpu.memory_space<hbm>>
      %dma_start3A_329 = tpu.memref_squeeze %dma_start3A_328 : memref<1x64xf32, #tpu.memory_space<hbm>> -> memref<64xf32, #tpu.memory_space<hbm>>
      %dma_start3A_330 = arith.constant 0 : i32
      %dma_start3A_331 = tpu.memref_slice %arg7[%add3A_323, %dma_start3A_330] : memref<256x64xf32, #tpu.memory_space<vmem>> -> memref<1x64xf32, #tpu.memory_space<vmem>>
      %dma_start3A_332 = tpu.memref_squeeze %dma_start3A_331 : memref<1x64xf32, #tpu.memory_space<vmem>> -> memref<64xf32, #tpu.memory_space<vmem>>
      %dma_start3A_333 = arith.constant 0 : i32
      %dma_start3A_334 = tpu.memref_slice %arg4[%squeeze3A_319, %dma_start3A_333] : memref<100000x64xf32, #tpu.memory_space<hbm>> -> memref<1x64xf32, #tpu.memory_space<hbm>>
      %dma_start3A_335 = tpu.memref_squeeze %dma_start3A_334 : memref<1x64xf32, #tpu.memory_space<hbm>> -> memref<64xf32, #tpu.memory_space<hbm>>
      tpu.enqueue_dma source(%dma_start3A_335 : memref<64xf32, #tpu.memory_space<hbm>>) target(%dma_start3A_332 : memref<64xf32, #tpu.memory_space<vmem>>) target_semaphore(%arg11 : memref<!tpu.dma_semaphore, #tpu.memory_space<semaphore_mem>>)
      %slice3A_336 = vector.extract_strided_slice %get3A_67 {offsets = [15], sizes = [1], strides = [1]} : vector<16xi32> to vector<1xi32>
      %squeeze3A_337 = vector.extract %slice3A_336[0] : i32 from vector<1xi32>
      %mul3A_338 = arith.constant 16 : i32
      %mul3A_339 = arith.muli %scan3A_63, %mul3A_338 : i32
      %add3A_340 = arith.constant 15 : i32
      %add3A_341 = arith.addi %mul3A_339, %add3A_340 : i32
      %dma_start3A_342 = arith.constant 0 : i32
      %dma_start3A_343 = tpu.memref_slice %arg7[%add3A_341, %dma_start3A_342] : memref<256x64xf32, #tpu.memory_space<vmem>> -> memref<1x64xf32, #tpu.memory_space<vmem>>
      %dma_start3A_344 = tpu.memref_squeeze %dma_start3A_343 : memref<1x64xf32, #tpu.memory_space<vmem>> -> memref<64xf32, #tpu.memory_space<vmem>>
      %dma_start3A_345 = arith.constant 0 : i32
      %dma_start3A_346 = tpu.memref_slice %arg4[%squeeze3A_337, %dma_start3A_345] : memref<100000x64xf32, #tpu.memory_space<hbm>> -> memref<1x64xf32, #tpu.memory_space<hbm>>
      %dma_start3A_347 = tpu.memref_squeeze %dma_start3A_346 : memref<1x64xf32, #tpu.memory_space<hbm>> -> memref<64xf32, #tpu.memory_space<hbm>>
      %dma_start3A_348 = arith.constant 0 : i32
      %dma_start3A_349 = tpu.memref_slice %arg7[%add3A_341, %dma_start3A_348] : memref<256x64xf32, #tpu.memory_space<vmem>> -> memref<1x64xf32, #tpu.memory_space<vmem>>
      %dma_start3A_350 = tpu.memref_squeeze %dma_start3A_349 : memref<1x64xf32, #tpu.memory_space<vmem>> -> memref<64xf32, #tpu.memory_space<vmem>>
      %dma_start3A_351 = arith.constant 0 : i32
      %dma_start3A_352 = tpu.memref_slice %arg4[%squeeze3A_337, %dma_start3A_351] : memref<100000x64xf32, #tpu.memory_space<hbm>> -> memref<1x64xf32, #tpu.memory_space<hbm>>
      %dma_start3A_353 = tpu.memref_squeeze %dma_start3A_352 : memref<1x64xf32, #tpu.memory_space<hbm>> -> memref<64xf32, #tpu.memory_space<hbm>>
      tpu.enqueue_dma source(%dma_start3A_353 : memref<64xf32, #tpu.memory_space<hbm>>) target(%dma_start3A_350 : memref<64xf32, #tpu.memory_space<vmem>>) target_semaphore(%arg11 : memref<!tpu.dma_semaphore, #tpu.memory_space<semaphore_mem>>)
      %scan3A_354 = arith.constant 0 : i32
      scf.yield %scan3A_354 : i32
    }
    %scan3A_11 = arith.constant 16 : i32
    %scan3A_12 = arith.constant 0 : i32
    %scan3A_13 = arith.constant 0 : i32
    %scan3A_14 = arith.constant 16 : i32
    %scan3A_15 = arith.addi %scan3A_13, %scan3A_14 : i32
    %scan3A_16 = arith.constant 1 : i32
    %scan3A_17 = scf.for %scan3A_63 = %scan3A_13 to %scan3A_15 step %scan3A_16 iter_args(%scan3A_64 = %scan3A_12) -> (i32)  : i32 {
      %mul3A_65 = arith.constant 16 : i32
      %mul3A_66 = arith.muli %scan3A_63, %mul3A_65 : i32
      %add3A_67 = arith.constant 256 : i32
      %add3A_68 = arith.addi %add3A_67, %mul3A_66 : i32
      %get3A = arith.index_cast %add3A_68 : i32 to index
      %get3A_69 = tpu.vector_load %arg6[%get3A] {strides = array<i32>} : memref<512xi32, #tpu.memory_space<vmem>>, vector<16xi32>,
      %slice3A = vector.extract_strided_slice %get3A_69 {offsets = [0], sizes = [1], strides = [1]} : vector<16xi32> to vector<1xi32>
      %squeeze3A = vector.extract %slice3A[0] : i32 from vector<1xi32>
      %mul3A_70 = arith.constant 16 : i32
      %mul3A_71 = arith.muli %scan3A_63, %mul3A_70 : i32
      %add3A_72 = arith.constant 0 : i32
      %add3A_73 = arith.addi %mul3A_71, %add3A_72 : i32
      %dma_start3A_74 = arith.constant 0 : i32
      %dma_start3A_75 = tpu.memref_slice %arg8[%add3A_73, %dma_start3A_74] : memref<256x64xf32, #tpu.memory_space<vmem>> -> memref<1x64xf32, #tpu.memory_space<vmem>>
      %dma_start3A_76 = tpu.memref_squeeze %dma_start3A_75 : memref<1x64xf32, #tpu.memory_space<vmem>> -> memref<64xf32, #tpu.memory_space<vmem>>
      %dma_start3A_77 = arith.constant 0 : i32
      %dma_start3A_78 = tpu.memref_slice %arg4[%squeeze3A, %dma_start3A_77] : memref<100000x64xf32, #tpu.memory_space<hbm>> -> memref<1x64xf32, #tpu.memory_space<hbm>>
      %dma_start3A_79 = tpu.memref_squeeze %dma_start3A_78 : memref<1x64xf32, #tpu.memory_space<hbm>> -> memref<64xf32, #tpu.memory_space<hbm>>
      %dma_start3A_80 = arith.constant 0 : i32
      %dma_start3A_81 = tpu.memref_slice %arg8[%add3A_73, %dma_start3A_80] : memref<256x64xf32, #tpu.memory_space<vmem>> -> memref<1x64xf32, #tpu.memory_space<vmem>>
      %dma_start3A_82 = tpu.memref_squeeze %dma_start3A_81 : memref<1x64xf32, #tpu.memory_space<vmem>> -> memref<64xf32, #tpu.memory_space<vmem>>
      %dma_start3A_83 = arith.constant 0 : i32
      %dma_start3A_84 = tpu.memref_slice %arg4[%squeeze3A, %dma_start3A_83] : memref<100000x64xf32, #tpu.memory_space<hbm>> -> memref<1x64xf32, #tpu.memory_space<hbm>>
      %dma_start3A_85 = tpu.memref_squeeze %dma_start3A_84 : memref<1x64xf32, #tpu.memory_space<hbm>> -> memref<64xf32, #tpu.memory_space<hbm>>
      tpu.enqueue_dma source(%dma_start3A_85 : memref<64xf32, #tpu.memory_space<hbm>>) target(%dma_start3A_82 : memref<64xf32, #tpu.memory_space<vmem>>) target_semaphore(%arg12 : memref<!tpu.dma_semaphore, #tpu.memory_space<semaphore_mem>>)
      %slice3A_86 = vector.extract_strided_slice %get3A_69 {offsets = [1], sizes = [1], strides = [1]} : vector<16xi32> to vector<1xi32>
      %squeeze3A_87 = vector.extract %slice3A_86[0] : i32 from vector<1xi32>
      %mul3A_88 = arith.constant 16 : i32
      %mul3A_89 = arith.muli %scan3A_63, %mul3A_88 : i32
      %add3A_90 = arith.constant 1 : i32
      %add3A_91 = arith.addi %mul3A_89, %add3A_90 : i32
      %dma_start3A_92 = arith.constant 0 : i32
      %dma_start3A_93 = tpu.memref_slice %arg8[%add3A_91, %dma_start3A_92] : memref<256x64xf32, #tpu.memory_space<vmem>> -> memref<1x64xf32, #tpu.memory_space<vmem>>
      %dma_start3A_94 = tpu.memref_squeeze %dma_start3A_93 : memref<1x64xf32, #tpu.memory_space<vmem>> -> memref<64xf32, #tpu.memory_space<vmem>>
      %dma_start3A_95 = arith.constant 0 : i32
      %dma_start3A_96 = tpu.memref_slice %arg4[%squeeze3A_87, %dma_start3A_95] : memref<100000x64xf32, #tpu.memory_space<hbm>> -> memref<1x64xf32, #tpu.memory_space<hbm>>
      %dma_start3A_97 = tpu.memref_squeeze %dma_start3A_96 : memref<1x64xf32, #tpu.memory_space<hbm>> -> memref<64xf32, #tpu.memory_space<hbm>>
      %dma_start3A_98 = arith.constant 0 : i32
      %dma_start3A_99 = tpu.memref_slice %arg8[%add3A_91, %dma_start3A_98] : memref<256x64xf32, #tpu.memory_space<vmem>> -> memref<1x64xf32, #tpu.memory_space<vmem>>
      %dma_start3A_100 = tpu.memref_squeeze %dma_start3A_99 : memref<1x64xf32, #tpu.memory_space<vmem>> -> memref<64xf32, #tpu.memory_space<vmem>>
      %dma_start3A_101 = arith.constant 0 : i32
      %dma_start3A_102 = tpu.memref_slice %arg4[%squeeze3A_87, %dma_start3A_101] : memref<100000x64xf32, #tpu.memory_space<hbm>> -> memref<1x64xf32, #tpu.memory_space<hbm>>
      %dma_start3A_103 = tpu.memref_squeeze %dma_start3A_102 : memref<1x64xf32, #tpu.memory_space<hbm>> -> memref<64xf32, #tpu.memory_space<hbm>>
      tpu.enqueue_dma source(%dma_start3A_103 : memref<64xf32, #tpu.memory_space<hbm>>) target(%dma_start3A_100 : memref<64xf32, #tpu.memory_space<vmem>>) target_semaphore(%arg12 : memref<!tpu.dma_semaphore, #tpu.memory_space<semaphore_mem>>)
      %slice3A_104 = vector.extract_strided_slice %get3A_69 {offsets = [2], sizes = [1], strides = [1]} : vector<16xi32> to vector<1xi32>
      %squeeze3A_105 = vector.extract %slice3A_104[0] : i32 from vector<1xi32>
      %mul3A_106 = arith.constant 16 : i32
      %mul3A_107 = arith.muli %scan3A_63, %mul3A_106 : i32
      %add3A_108 = arith.constant 2 : i32
      %add3A_109 = arith.addi %mul3A_107, %add3A_108 : i32
      %dma_start3A_110 = arith.constant 0 : i32
      %dma_start3A_111 = tpu.memref_slice %arg8[%add3A_109, %dma_start3A_110] : memref<256x64xf32, #tpu.memory_space<vmem>> -> memref<1x64xf32, #tpu.memory_space<vmem>>
      %dma_start3A_112 = tpu.memref_squeeze %dma_start3A_111 : memref<1x64xf32, #tpu.memory_space<vmem>> -> memref<64xf32, #tpu.memory_space<vmem>>
      %dma_start3A_113 = arith.constant 0 : i32
      %dma_start3A_114 = tpu.memref_slice %arg4[%squeeze3A_105, %dma_start3A_113] : memref<100000x64xf32, #tpu.memory_space<hbm>> -> memref<1x64xf32, #tpu.memory_space<hbm>>
      %dma_start3A_115 = tpu.memref_squeeze %dma_start3A_114 : memref<1x64xf32, #tpu.memory_space<hbm>> -> memref<64xf32, #tpu.memory_space<hbm>>
      %dma_start3A_116 = arith.constant 0 : i32
      %dma_start3A_117 = tpu.memref_slice %arg8[%add3A_109, %dma_start3A_116] : memref<256x64xf32, #tpu.memory_space<vmem>> -> memref<1x64xf32, #tpu.memory_space<vmem>>
      %dma_start3A_118 = tpu.memref_squeeze %dma_start3A_117 : memref<1x64xf32, #tpu.memory_space<vmem>> -> memref<64xf32, #tpu.memory_space<vmem>>
      %dma_start3A_119 = arith.constant 0 : i32
      %dma_start3A_120 = tpu.memref_slice %arg4[%squeeze3A_105, %dma_start3A_119] : memref<100000x64xf32, #tpu.memory_space<hbm>> -> memref<1x64xf32, #tpu.memory_space<hbm>>
      %dma_start3A_121 = tpu.memref_squeeze %dma_start3A_120 : memref<1x64xf32, #tpu.memory_space<hbm>> -> memref<64xf32, #tpu.memory_space<hbm>>
      tpu.enqueue_dma source(%dma_start3A_121 : memref<64xf32, #tpu.memory_space<hbm>>) target(%dma_start3A_118 : memref<64xf32, #tpu.memory_space<vmem>>) target_semaphore(%arg12 : memref<!tpu.dma_semaphore, #tpu.memory_space<semaphore_mem>>)
      %slice3A_122 = vector.extract_strided_slice %get3A_69 {offsets = [3], sizes = [1], strides = [1]} : vector<16xi32> to vector<1xi32>
      %squeeze3A_123 = vector.extract %slice3A_122[0] : i32 from vector<1xi32>
      %mul3A_124 = arith.constant 16 : i32
      %mul3A_125 = arith.muli %scan3A_63, %mul3A_124 : i32
      %add3A_126 = arith.constant 3 : i32
      %add3A_127 = arith.addi %mul3A_125, %add3A_126 : i32
      %dma_start3A_128 = arith.constant 0 : i32
      %dma_start3A_129 = tpu.memref_slice %arg8[%add3A_127, %dma_start3A_128] : memref<256x64xf32, #tpu.memory_space<vmem>> -> memref<1x64xf32, #tpu.memory_space<vmem>>
      %dma_start3A_130 = tpu.memref_squeeze %dma_start3A_129 : memref<1x64xf32, #tpu.memory_space<vmem>> -> memref<64xf32, #tpu.memory_space<vmem>>
      %dma_start3A_131 = arith.constant 0 : i32
      %dma_start3A_132 = tpu.memref_slice %arg4[%squeeze3A_123, %dma_start3A_131] : memref<100000x64xf32, #tpu.memory_space<hbm>> -> memref<1x64xf32, #tpu.memory_space<hbm>>
      %dma_start3A_133 = tpu.memref_squeeze %dma_start3A_132 : memref<1x64xf32, #tpu.memory_space<hbm>> -> memref<64xf32, #tpu.memory_space<hbm>>
      %dma_start3A_134 = arith.constant 0 : i32
      %dma_start3A_135 = tpu.memref_slice %arg8[%add3A_127, %dma_start3A_134] : memref<256x64xf32, #tpu.memory_space<vmem>> -> memref<1x64xf32, #tpu.memory_space<vmem>>
      %dma_start3A_136 = tpu.memref_squeeze %dma_start3A_135 : memref<1x64xf32, #tpu.memory_space<vmem>> -> memref<64xf32, #tpu.memory_space<vmem>>
      %dma_start3A_137 = arith.constant 0 : i32
      %dma_start3A_138 = tpu.memref_slice %arg4[%squeeze3A_123, %dma_start3A_137] : memref<100000x64xf32, #tpu.memory_space<hbm>> -> memref<1x64xf32, #tpu.memory_space<hbm>>
      %dma_start3A_139 = tpu.memref_squeeze %dma_start3A_138 : memref<1x64xf32, #tpu.memory_space<hbm>> -> memref<64xf32, #tpu.memory_space<hbm>>
      tpu.enqueue_dma source(%dma_start3A_139 : memref<64xf32, #tpu.memory_space<hbm>>) target(%dma_start3A_136 : memref<64xf32, #tpu.memory_space<vmem>>) target_semaphore(%arg12 : memref<!tpu.dma_semaphore, #tpu.memory_space<semaphore_mem>>)
      %slice3A_140 = vector.extract_strided_slice %get3A_69 {offsets = [4], sizes = [1], strides = [1]} : vector<16xi32> to vector<1xi32>
      %squeeze3A_141 = vector.extract %slice3A_140[0] : i32 from vector<1xi32>
      %mul3A_142 = arith.constant 16 : i32
      %mul3A_143 = arith.muli %scan3A_63, %mul3A_142 : i32
      %add3A_144 = arith.constant 4 : i32
      %add3A_145 = arith.addi %mul3A_143, %add3A_144 : i32
      %dma_start3A_146 = arith.constant 0 : i32
      %dma_start3A_147 = tpu.memref_slice %arg8[%add3A_145, %dma_start3A_146] : memref<256x64xf32, #tpu.memory_space<vmem>> -> memref<1x64xf32, #tpu.memory_space<vmem>>
      %dma_start3A_148 = tpu.memref_squeeze %dma_start3A_147 : memref<1x64xf32, #tpu.memory_space<vmem>> -> memref<64xf32, #tpu.memory_space<vmem>>
      %dma_start3A_149 = arith.constant 0 : i32
      %dma_start3A_150 = tpu.memref_slice %arg4[%squeeze3A_141, %dma_start3A_149] : memref<100000x64xf32, #tpu.memory_space<hbm>> -> memref<1x64xf32, #tpu.memory_space<hbm>>
      %dma_start3A_151 = tpu.memref_squeeze %dma_start3A_150 : memref<1x64xf32, #tpu.memory_space<hbm>> -> memref<64xf32, #tpu.memory_space<hbm>>
      %dma_start3A_152 = arith.constant 0 : i32
      %dma_start3A_153 = tpu.memref_slice %arg8[%add3A_145, %dma_start3A_152] : memref<256x64xf32, #tpu.memory_space<vmem>> -> memref<1x64xf32, #tpu.memory_space<vmem>>
      %dma_start3A_154 = tpu.memref_squeeze %dma_start3A_153 : memref<1x64xf32, #tpu.memory_space<vmem>> -> memref<64xf32, #tpu.memory_space<vmem>>
      %dma_start3A_155 = arith.constant 0 : i32
      %dma_start3A_156 = tpu.memref_slice %arg4[%squeeze3A_141, %dma_start3A_155] : memref<100000x64xf32, #tpu.memory_space<hbm>> -> memref<1x64xf32, #tpu.memory_space<hbm>>
      %dma_start3A_157 = tpu.memref_squeeze %dma_start3A_156 : memref<1x64xf32, #tpu.memory_space<hbm>> -> memref<64xf32, #tpu.memory_space<hbm>>
      tpu.enqueue_dma source(%dma_start3A_157 : memref<64xf32, #tpu.memory_space<hbm>>) target(%dma_start3A_154 : memref<64xf32, #tpu.memory_space<vmem>>) target_semaphore(%arg12 : memref<!tpu.dma_semaphore, #tpu.memory_space<semaphore_mem>>)
      %slice3A_158 = vector.extract_strided_slice %get3A_69 {offsets = [5], sizes = [1], strides = [1]} : vector<16xi32> to vector<1xi32>
      %squeeze3A_159 = vector.extract %slice3A_158[0] : i32 from vector<1xi32>
      %mul3A_160 = arith.constant 16 : i32
      %mul3A_161 = arith.muli %scan3A_63, %mul3A_160 : i32
      %add3A_162 = arith.constant 5 : i32
      %add3A_163 = arith.addi %mul3A_161, %add3A_162 : i32
      %dma_start3A_164 = arith.constant 0 : i32
      %dma_start3A_165 = tpu.memref_slice %arg8[%add3A_163, %dma_start3A_164] : memref<256x64xf32, #tpu.memory_space<vmem>> -> memref<1x64xf32, #tpu.memory_space<vmem>>
      %dma_start3A_166 = tpu.memref_squeeze %dma_start3A_165 : memref<1x64xf32, #tpu.memory_space<vmem>> -> memref<64xf32, #tpu.memory_space<vmem>>
      %dma_start3A_167 = arith.constant 0 : i32
      %dma_start3A_168 = tpu.memref_slice %arg4[%squeeze3A_159, %dma_start3A_167] : memref<100000x64xf32, #tpu.memory_space<hbm>> -> memref<1x64xf32, #tpu.memory_space<hbm>>
      %dma_start3A_169 = tpu.memref_squeeze %dma_start3A_168 : memref<1x64xf32, #tpu.memory_space<hbm>> -> memref<64xf32, #tpu.memory_space<hbm>>
      %dma_start3A_170 = arith.constant 0 : i32
      %dma_start3A_171 = tpu.memref_slice %arg8[%add3A_163, %dma_start3A_170] : memref<256x64xf32, #tpu.memory_space<vmem>> -> memref<1x64xf32, #tpu.memory_space<vmem>>
      %dma_start3A_172 = tpu.memref_squeeze %dma_start3A_171 : memref<1x64xf32, #tpu.memory_space<vmem>> -> memref<64xf32, #tpu.memory_space<vmem>>
      %dma_start3A_173 = arith.constant 0 : i32
      %dma_start3A_174 = tpu.memref_slice %arg4[%squeeze3A_159, %dma_start3A_173] : memref<100000x64xf32, #tpu.memory_space<hbm>> -> memref<1x64xf32, #tpu.memory_space<hbm>>
      %dma_start3A_175 = tpu.memref_squeeze %dma_start3A_174 : memref<1x64xf32, #tpu.memory_space<hbm>> -> memref<64xf32, #tpu.memory_space<hbm>>
      tpu.enqueue_dma source(%dma_start3A_175 : memref<64xf32, #tpu.memory_space<hbm>>) target(%dma_start3A_172 : memref<64xf32, #tpu.memory_space<vmem>>) target_semaphore(%arg12 : memref<!tpu.dma_semaphore, #tpu.memory_space<semaphore_mem>>)
      %slice3A_176 = vector.extract_strided_slice %get3A_69 {offsets = [6], sizes = [1], strides = [1]} : vector<16xi32> to vector<1xi32>
      %squeeze3A_177 = vector.extract %slice3A_176[0] : i32 from vector<1xi32>
      %mul3A_178 = arith.constant 16 : i32
      %mul3A_179 = arith.muli %scan3A_63, %mul3A_178 : i32
      %add3A_180 = arith.constant 6 : i32
      %add3A_181 = arith.addi %mul3A_179, %add3A_180 : i32
      %dma_start3A_182 = arith.constant 0 : i32
      %dma_start3A_183 = tpu.memref_slice %arg8[%add3A_181, %dma_start3A_182] : memref<256x64xf32, #tpu.memory_space<vmem>> -> memref<1x64xf32, #tpu.memory_space<vmem>>
      %dma_start3A_184 = tpu.memref_squeeze %dma_start3A_183 : memref<1x64xf32, #tpu.memory_space<vmem>> -> memref<64xf32, #tpu.memory_space<vmem>>
      %dma_start3A_185 = arith.constant 0 : i32
      %dma_start3A_186 = tpu.memref_slice %arg4[%squeeze3A_177, %dma_start3A_185] : memref<100000x64xf32, #tpu.memory_space<hbm>> -> memref<1x64xf32, #tpu.memory_space<hbm>>
      %dma_start3A_187 = tpu.memref_squeeze %dma_start3A_186 : memref<1x64xf32, #tpu.memory_space<hbm>> -> memref<64xf32, #tpu.memory_space<hbm>>
      %dma_start3A_188 = arith.constant 0 : i32
      %dma_start3A_189 = tpu.memref_slice %arg8[%add3A_181, %dma_start3A_188] : memref<256x64xf32, #tpu.memory_space<vmem>> -> memref<1x64xf32, #tpu.memory_space<vmem>>
      %dma_start3A_190 = tpu.memref_squeeze %dma_start3A_189 : memref<1x64xf32, #tpu.memory_space<vmem>> -> memref<64xf32, #tpu.memory_space<vmem>>
      %dma_start3A_191 = arith.constant 0 : i32
      %dma_start3A_192 = tpu.memref_slice %arg4[%squeeze3A_177, %dma_start3A_191] : memref<100000x64xf32, #tpu.memory_space<hbm>> -> memref<1x64xf32, #tpu.memory_space<hbm>>
      %dma_start3A_193 = tpu.memref_squeeze %dma_start3A_192 : memref<1x64xf32, #tpu.memory_space<hbm>> -> memref<64xf32, #tpu.memory_space<hbm>>
      tpu.enqueue_dma source(%dma_start3A_193 : memref<64xf32, #tpu.memory_space<hbm>>) target(%dma_start3A_190 : memref<64xf32, #tpu.memory_space<vmem>>) target_semaphore(%arg12 : memref<!tpu.dma_semaphore, #tpu.memory_space<semaphore_mem>>)
      %slice3A_194 = vector.extract_strided_slice %get3A_69 {offsets = [7], sizes = [1], strides = [1]} : vector<16xi32> to vector<1xi32>
      %squeeze3A_195 = vector.extract %slice3A_194[0] : i32 from vector<1xi32>
      %mul3A_196 = arith.constant 16 : i32
      %mul3A_197 = arith.muli %scan3A_63, %mul3A_196 : i32
      %add3A_198 = arith.constant 7 : i32
      %add3A_199 = arith.addi %mul3A_197, %add3A_198 : i32
      %dma_start3A_200 = arith.constant 0 : i32
      %dma_start3A_201 = tpu.memref_slice %arg8[%add3A_199, %dma_start3A_200] : memref<256x64xf32, #tpu.memory_space<vmem>> -> memref<1x64xf32, #tpu.memory_space<vmem>>
      %dma_start3A_202 = tpu.memref_squeeze %dma_start3A_201 : memref<1x64xf32, #tpu.memory_space<vmem>> -> memref<64xf32, #tpu.memory_space<vmem>>
      %dma_start3A_203 = arith.constant 0 : i32
      %dma_start3A_204 = tpu.memref_slice %arg4[%squeeze3A_195, %dma_start3A_203] : memref<100000x64xf32, #tpu.memory_space<hbm>> -> memref<1x64xf32, #tpu.memory_space<hbm>>
      %dma_start3A_205 = tpu.memref_squeeze %dma_start3A_204 : memref<1x64xf32, #tpu.memory_space<hbm>> -> memref<64xf32, #tpu.memory_space<hbm>>
      %dma_start3A_206 = arith.constant 0 : i32
      %dma_start3A_207 = tpu.memref_slice %arg8[%add3A_199, %dma_start3A_206] : memref<256x64xf32, #tpu.memory_space<vmem>> -> memref<1x64xf32, #tpu.memory_space<vmem>>
      %dma_start3A_208 = tpu.memref_squeeze %dma_start3A_207 : memref<1x64xf32, #tpu.memory_space<vmem>> -> memref<64xf32, #tpu.memory_space<vmem>>
      %dma_start3A_209 = arith.constant 0 : i32
      %dma_start3A_210 = tpu.memref_slice %arg4[%squeeze3A_195, %dma_start3A_209] : memref<100000x64xf32, #tpu.memory_space<hbm>> -> memref<1x64xf32, #tpu.memory_space<hbm>>
      %dma_start3A_211 = tpu.memref_squeeze %dma_start3A_210 : memref<1x64xf32, #tpu.memory_space<hbm>> -> memref<64xf32, #tpu.memory_space<hbm>>
      tpu.enqueue_dma source(%dma_start3A_211 : memref<64xf32, #tpu.memory_space<hbm>>) target(%dma_start3A_208 : memref<64xf32, #tpu.memory_space<vmem>>) target_semaphore(%arg12 : memref<!tpu.dma_semaphore, #tpu.memory_space<semaphore_mem>>)
      %slice3A_212 = vector.extract_strided_slice %get3A_69 {offsets = [8], sizes = [1], strides = [1]} : vector<16xi32> to vector<1xi32>
      %squeeze3A_213 = vector.extract %slice3A_212[0] : i32 from vector<1xi32>
      %mul3A_214 = arith.constant 16 : i32
      %mul3A_215 = arith.muli %scan3A_63, %mul3A_214 : i32
      %add3A_216 = arith.constant 8 : i32
      %add3A_217 = arith.addi %mul3A_215, %add3A_216 : i32
      %dma_start3A_218 = arith.constant 0 : i32
      %dma_start3A_219 = tpu.memref_slice %arg8[%add3A_217, %dma_start3A_218] : memref<256x64xf32, #tpu.memory_space<vmem>> -> memref<1x64xf32, #tpu.memory_space<vmem>>
      %dma_start3A_220 = tpu.memref_squeeze %dma_start3A_219 : memref<1x64xf32, #tpu.memory_space<vmem>> -> memref<64xf32, #tpu.memory_space<vmem>>
      %dma_start3A_221 = arith.constant 0 : i32
      %dma_start3A_222 = tpu.memref_slice %arg4[%squeeze3A_213, %dma_start3A_221] : memref<100000x64xf32, #tpu.memory_space<hbm>> -> memref<1x64xf32, #tpu.memory_space<hbm>>
      %dma_start3A_223 = tpu.memref_squeeze %dma_start3A_222 : memref<1x64xf32, #tpu.memory_space<hbm>> -> memref<64xf32, #tpu.memory_space<hbm>>
      %dma_start3A_224 = arith.constant 0 : i32
      %dma_start3A_225 = tpu.memref_slice %arg8[%add3A_217, %dma_start3A_224] : memref<256x64xf32, #tpu.memory_space<vmem>> -> memref<1x64xf32, #tpu.memory_space<vmem>>
      %dma_start3A_226 = tpu.memref_squeeze %dma_start3A_225 : memref<1x64xf32, #tpu.memory_space<vmem>> -> memref<64xf32, #tpu.memory_space<vmem>>
      %dma_start3A_227 = arith.constant 0 : i32
      %dma_start3A_228 = tpu.memref_slice %arg4[%squeeze3A_213, %dma_start3A_227] : memref<100000x64xf32, #tpu.memory_space<hbm>> -> memref<1x64xf32, #tpu.memory_space<hbm>>
      %dma_start3A_229 = tpu.memref_squeeze %dma_start3A_228 : memref<1x64xf32, #tpu.memory_space<hbm>> -> memref<64xf32, #tpu.memory_space<hbm>>
      tpu.enqueue_dma source(%dma_start3A_229 : memref<64xf32, #tpu.memory_space<hbm>>) target(%dma_start3A_226 : memref<64xf32, #tpu.memory_space<vmem>>) target_semaphore(%arg12 : memref<!tpu.dma_semaphore, #tpu.memory_space<semaphore_mem>>)
      %slice3A_230 = vector.extract_strided_slice %get3A_69 {offsets = [9], sizes = [1], strides = [1]} : vector<16xi32> to vector<1xi32>
      %squeeze3A_231 = vector.extract %slice3A_230[0] : i32 from vector<1xi32>
      %mul3A_232 = arith.constant 16 : i32
      %mul3A_233 = arith.muli %scan3A_63, %mul3A_232 : i32
      %add3A_234 = arith.constant 9 : i32
      %add3A_235 = arith.addi %mul3A_233, %add3A_234 : i32
      %dma_start3A_236 = arith.constant 0 : i32
      %dma_start3A_237 = tpu.memref_slice %arg8[%add3A_235, %dma_start3A_236] : memref<256x64xf32, #tpu.memory_space<vmem>> -> memref<1x64xf32, #tpu.memory_space<vmem>>
      %dma_start3A_238 = tpu.memref_squeeze %dma_start3A_237 : memref<1x64xf32, #tpu.memory_space<vmem>> -> memref<64xf32, #tpu.memory_space<vmem>>
      %dma_start3A_239 = arith.constant 0 : i32
      %dma_start3A_240 = tpu.memref_slice %arg4[%squeeze3A_231, %dma_start3A_239] : memref<100000x64xf32, #tpu.memory_space<hbm>> -> memref<1x64xf32, #tpu.memory_space<hbm>>
      %dma_start3A_241 = tpu.memref_squeeze %dma_start3A_240 : memref<1x64xf32, #tpu.memory_space<hbm>> -> memref<64xf32, #tpu.memory_space<hbm>>
      %dma_start3A_242 = arith.constant 0 : i32
      %dma_start3A_243 = tpu.memref_slice %arg8[%add3A_235, %dma_start3A_242] : memref<256x64xf32, #tpu.memory_space<vmem>> -> memref<1x64xf32, #tpu.memory_space<vmem>>
      %dma_start3A_244 = tpu.memref_squeeze %dma_start3A_243 : memref<1x64xf32, #tpu.memory_space<vmem>> -> memref<64xf32, #tpu.memory_space<vmem>>
      %dma_start3A_245 = arith.constant 0 : i32
      %dma_start3A_246 = tpu.memref_slice %arg4[%squeeze3A_231, %dma_start3A_245] : memref<100000x64xf32, #tpu.memory_space<hbm>> -> memref<1x64xf32, #tpu.memory_space<hbm>>
      %dma_start3A_247 = tpu.memref_squeeze %dma_start3A_246 : memref<1x64xf32, #tpu.memory_space<hbm>> -> memref<64xf32, #tpu.memory_space<hbm>>
      tpu.enqueue_dma source(%dma_start3A_247 : memref<64xf32, #tpu.memory_space<hbm>>) target(%dma_start3A_244 : memref<64xf32, #tpu.memory_space<vmem>>) target_semaphore(%arg12 : memref<!tpu.dma_semaphore, #tpu.memory_space<semaphore_mem>>)
      %slice3A_248 = vector.extract_strided_slice %get3A_69 {offsets = [10], sizes = [1], strides = [1]} : vector<16xi32> to vector<1xi32>
      %squeeze3A_249 = vector.extract %slice3A_248[0] : i32 from vector<1xi32>
      %mul3A_250 = arith.constant 16 : i32
      %mul3A_251 = arith.muli %scan3A_63, %mul3A_250 : i32
      %add3A_252 = arith.constant 10 : i32
      %add3A_253 = arith.addi %mul3A_251, %add3A_252 : i32
      %dma_start3A_254 = arith.constant 0 : i32
      %dma_start3A_255 = tpu.memref_slice %arg8[%add3A_253, %dma_start3A_254] : memref<256x64xf32, #tpu.memory_space<vmem>> -> memref<1x64xf32, #tpu.memory_space<vmem>>
      %dma_start3A_256 = tpu.memref_squeeze %dma_start3A_255 : memref<1x64xf32, #tpu.memory_space<vmem>> -> memref<64xf32, #tpu.memory_space<vmem>>
      %dma_start3A_257 = arith.constant 0 : i32
      %dma_start3A_258 = tpu.memref_slice %arg4[%squeeze3A_249, %dma_start3A_257] : memref<100000x64xf32, #tpu.memory_space<hbm>> -> memref<1x64xf32, #tpu.memory_space<hbm>>
      %dma_start3A_259 = tpu.memref_squeeze %dma_start3A_258 : memref<1x64xf32, #tpu.memory_space<hbm>> -> memref<64xf32, #tpu.memory_space<hbm>>
      %dma_start3A_260 = arith.constant 0 : i32
      %dma_start3A_261 = tpu.memref_slice %arg8[%add3A_253, %dma_start3A_260] : memref<256x64xf32, #tpu.memory_space<vmem>> -> memref<1x64xf32, #tpu.memory_space<vmem>>
      %dma_start3A_262 = tpu.memref_squeeze %dma_start3A_261 : memref<1x64xf32, #tpu.memory_space<vmem>> -> memref<64xf32, #tpu.memory_space<vmem>>
      %dma_start3A_263 = arith.constant 0 : i32
      %dma_start3A_264 = tpu.memref_slice %arg4[%squeeze3A_249, %dma_start3A_263] : memref<100000x64xf32, #tpu.memory_space<hbm>> -> memref<1x64xf32, #tpu.memory_space<hbm>>
      %dma_start3A_265 = tpu.memref_squeeze %dma_start3A_264 : memref<1x64xf32, #tpu.memory_space<hbm>> -> memref<64xf32, #tpu.memory_space<hbm>>
      tpu.enqueue_dma source(%dma_start3A_265 : memref<64xf32, #tpu.memory_space<hbm>>) target(%dma_start3A_262 : memref<64xf32, #tpu.memory_space<vmem>>) target_semaphore(%arg12 : memref<!tpu.dma_semaphore, #tpu.memory_space<semaphore_mem>>)
      %slice3A_266 = vector.extract_strided_slice %get3A_69 {offsets = [11], sizes = [1], strides = [1]} : vector<16xi32> to vector<1xi32>
      %squeeze3A_267 = vector.extract %slice3A_266[0] : i32 from vector<1xi32>
      %mul3A_268 = arith.constant 16 : i32
      %mul3A_269 = arith.muli %scan3A_63, %mul3A_268 : i32
      %add3A_270 = arith.constant 11 : i32
      %add3A_271 = arith.addi %mul3A_269, %add3A_270 : i32
      %dma_start3A_272 = arith.constant 0 : i32
      %dma_start3A_273 = tpu.memref_slice %arg8[%add3A_271, %dma_start3A_272] : memref<256x64xf32, #tpu.memory_space<vmem>> -> memref<1x64xf32, #tpu.memory_space<vmem>>
      %dma_start3A_274 = tpu.memref_squeeze %dma_start3A_273 : memref<1x64xf32, #tpu.memory_space<vmem>> -> memref<64xf32, #tpu.memory_space<vmem>>
      %dma_start3A_275 = arith.constant 0 : i32
      %dma_start3A_276 = tpu.memref_slice %arg4[%squeeze3A_267, %dma_start3A_275] : memref<100000x64xf32, #tpu.memory_space<hbm>> -> memref<1x64xf32, #tpu.memory_space<hbm>>
      %dma_start3A_277 = tpu.memref_squeeze %dma_start3A_276 : memref<1x64xf32, #tpu.memory_space<hbm>> -> memref<64xf32, #tpu.memory_space<hbm>>
      %dma_start3A_278 = arith.constant 0 : i32
      %dma_start3A_279 = tpu.memref_slice %arg8[%add3A_271, %dma_start3A_278] : memref<256x64xf32, #tpu.memory_space<vmem>> -> memref<1x64xf32, #tpu.memory_space<vmem>>
      %dma_start3A_280 = tpu.memref_squeeze %dma_start3A_279 : memref<1x64xf32, #tpu.memory_space<vmem>> -> memref<64xf32, #tpu.memory_space<vmem>>
      %dma_start3A_281 = arith.constant 0 : i32
      %dma_start3A_282 = tpu.memref_slice %arg4[%squeeze3A_267, %dma_start3A_281] : memref<100000x64xf32, #tpu.memory_space<hbm>> -> memref<1x64xf32, #tpu.memory_space<hbm>>
      %dma_start3A_283 = tpu.memref_squeeze %dma_start3A_282 : memref<1x64xf32, #tpu.memory_space<hbm>> -> memref<64xf32, #tpu.memory_space<hbm>>
      tpu.enqueue_dma source(%dma_start3A_283 : memref<64xf32, #tpu.memory_space<hbm>>) target(%dma_start3A_280 : memref<64xf32, #tpu.memory_space<vmem>>) target_semaphore(%arg12 : memref<!tpu.dma_semaphore, #tpu.memory_space<semaphore_mem>>)
      %slice3A_284 = vector.extract_strided_slice %get3A_69 {offsets = [12], sizes = [1], strides = [1]} : vector<16xi32> to vector<1xi32>
      %squeeze3A_285 = vector.extract %slice3A_284[0] : i32 from vector<1xi32>
      %mul3A_286 = arith.constant 16 : i32
      %mul3A_287 = arith.muli %scan3A_63, %mul3A_286 : i32
      %add3A_288 = arith.constant 12 : i32
      %add3A_289 = arith.addi %mul3A_287, %add3A_288 : i32
      %dma_start3A_290 = arith.constant 0 : i32
      %dma_start3A_291 = tpu.memref_slice %arg8[%add3A_289, %dma_start3A_290] : memref<256x64xf32, #tpu.memory_space<vmem>> -> memref<1x64xf32, #tpu.memory_space<vmem>>
      %dma_start3A_292 = tpu.memref_squeeze %dma_start3A_291 : memref<1x64xf32, #tpu.memory_space<vmem>> -> memref<64xf32, #tpu.memory_space<vmem>>
      %dma_start3A_293 = arith.constant 0 : i32
      %dma_start3A_294 = tpu.memref_slice %arg4[%squeeze3A_285, %dma_start3A_293] : memref<100000x64xf32, #tpu.memory_space<hbm>> -> memref<1x64xf32, #tpu.memory_space<hbm>>
      %dma_start3A_295 = tpu.memref_squeeze %dma_start3A_294 : memref<1x64xf32, #tpu.memory_space<hbm>> -> memref<64xf32, #tpu.memory_space<hbm>>
      %dma_start3A_296 = arith.constant 0 : i32
      %dma_start3A_297 = tpu.memref_slice %arg8[%add3A_289, %dma_start3A_296] : memref<256x64xf32, #tpu.memory_space<vmem>> -> memref<1x64xf32, #tpu.memory_space<vmem>>
      %dma_start3A_298 = tpu.memref_squeeze %dma_start3A_297 : memref<1x64xf32, #tpu.memory_space<vmem>> -> memref<64xf32, #tpu.memory_space<vmem>>
      %dma_start3A_299 = arith.constant 0 : i32
      %dma_start3A_300 = tpu.memref_slice %arg4[%squeeze3A_285, %dma_start3A_299] : memref<100000x64xf32, #tpu.memory_space<hbm>> -> memref<1x64xf32, #tpu.memory_space<hbm>>
      %dma_start3A_301 = tpu.memref_squeeze %dma_start3A_300 : memref<1x64xf32, #tpu.memory_space<hbm>> -> memref<64xf32, #tpu.memory_space<hbm>>
      tpu.enqueue_dma source(%dma_start3A_301 : memref<64xf32, #tpu.memory_space<hbm>>) target(%dma_start3A_298 : memref<64xf32, #tpu.memory_space<vmem>>) target_semaphore(%arg12 : memref<!tpu.dma_semaphore, #tpu.memory_space<semaphore_mem>>)
      %slice3A_302 = vector.extract_strided_slice %get3A_69 {offsets = [13], sizes = [1], strides = [1]} : vector<16xi32> to vector<1xi32>
      %squeeze3A_303 = vector.extract %slice3A_302[0] : i32 from vector<1xi32>
      %mul3A_304 = arith.constant 16 : i32
      %mul3A_305 = arith.muli %scan3A_63, %mul3A_304 : i32
      %add3A_306 = arith.constant 13 : i32
      %add3A_307 = arith.addi %mul3A_305, %add3A_306 : i32
      %dma_start3A_308 = arith.constant 0 : i32
      %dma_start3A_309 = tpu.memref_slice %arg8[%add3A_307, %dma_start3A_308] : memref<256x64xf32, #tpu.memory_space<vmem>> -> memref<1x64xf32, #tpu.memory_space<vmem>>
      %dma_start3A_310 = tpu.memref_squeeze %dma_start3A_309 : memref<1x64xf32, #tpu.memory_space<vmem>> -> memref<64xf32, #tpu.memory_space<vmem>>
      %dma_start3A_311 = arith.constant 0 : i32
      %dma_start3A_312 = tpu.memref_slice %arg4[%squeeze3A_303, %dma_start3A_311] : memref<100000x64xf32, #tpu.memory_space<hbm>> -> memref<1x64xf32, #tpu.memory_space<hbm>>
      %dma_start3A_313 = tpu.memref_squeeze %dma_start3A_312 : memref<1x64xf32, #tpu.memory_space<hbm>> -> memref<64xf32, #tpu.memory_space<hbm>>
      %dma_start3A_314 = arith.constant 0 : i32
      %dma_start3A_315 = tpu.memref_slice %arg8[%add3A_307, %dma_start3A_314] : memref<256x64xf32, #tpu.memory_space<vmem>> -> memref<1x64xf32, #tpu.memory_space<vmem>>
      %dma_start3A_316 = tpu.memref_squeeze %dma_start3A_315 : memref<1x64xf32, #tpu.memory_space<vmem>> -> memref<64xf32, #tpu.memory_space<vmem>>
      %dma_start3A_317 = arith.constant 0 : i32
      %dma_start3A_318 = tpu.memref_slice %arg4[%squeeze3A_303, %dma_start3A_317] : memref<100000x64xf32, #tpu.memory_space<hbm>> -> memref<1x64xf32, #tpu.memory_space<hbm>>
      %dma_start3A_319 = tpu.memref_squeeze %dma_start3A_318 : memref<1x64xf32, #tpu.memory_space<hbm>> -> memref<64xf32, #tpu.memory_space<hbm>>
      tpu.enqueue_dma source(%dma_start3A_319 : memref<64xf32, #tpu.memory_space<hbm>>) target(%dma_start3A_316 : memref<64xf32, #tpu.memory_space<vmem>>) target_semaphore(%arg12 : memref<!tpu.dma_semaphore, #tpu.memory_space<semaphore_mem>>)
      %slice3A_320 = vector.extract_strided_slice %get3A_69 {offsets = [14], sizes = [1], strides = [1]} : vector<16xi32> to vector<1xi32>
      %squeeze3A_321 = vector.extract %slice3A_320[0] : i32 from vector<1xi32>
      %mul3A_322 = arith.constant 16 : i32
      %mul3A_323 = arith.muli %scan3A_63, %mul3A_322 : i32
      %add3A_324 = arith.constant 14 : i32
      %add3A_325 = arith.addi %mul3A_323, %add3A_324 : i32
      %dma_start3A_326 = arith.constant 0 : i32
      %dma_start3A_327 = tpu.memref_slice %arg8[%add3A_325, %dma_start3A_326] : memref<256x64xf32, #tpu.memory_space<vmem>> -> memref<1x64xf32, #tpu.memory_space<vmem>>
      %dma_start3A_328 = tpu.memref_squeeze %dma_start3A_327 : memref<1x64xf32, #tpu.memory_space<vmem>> -> memref<64xf32, #tpu.memory_space<vmem>>
      %dma_start3A_329 = arith.constant 0 : i32
      %dma_start3A_330 = tpu.memref_slice %arg4[%squeeze3A_321, %dma_start3A_329] : memref<100000x64xf32, #tpu.memory_space<hbm>> -> memref<1x64xf32, #tpu.memory_space<hbm>>
      %dma_start3A_331 = tpu.memref_squeeze %dma_start3A_330 : memref<1x64xf32, #tpu.memory_space<hbm>> -> memref<64xf32, #tpu.memory_space<hbm>>
      %dma_start3A_332 = arith.constant 0 : i32
      %dma_start3A_333 = tpu.memref_slice %arg8[%add3A_325, %dma_start3A_332] : memref<256x64xf32, #tpu.memory_space<vmem>> -> memref<1x64xf32, #tpu.memory_space<vmem>>
      %dma_start3A_334 = tpu.memref_squeeze %dma_start3A_333 : memref<1x64xf32, #tpu.memory_space<vmem>> -> memref<64xf32, #tpu.memory_space<vmem>>
      %dma_start3A_335 = arith.constant 0 : i32
      %dma_start3A_336 = tpu.memref_slice %arg4[%squeeze3A_321, %dma_start3A_335] : memref<100000x64xf32, #tpu.memory_space<hbm>> -> memref<1x64xf32, #tpu.memory_space<hbm>>
      %dma_start3A_337 = tpu.memref_squeeze %dma_start3A_336 : memref<1x64xf32, #tpu.memory_space<hbm>> -> memref<64xf32, #tpu.memory_space<hbm>>
      tpu.enqueue_dma source(%dma_start3A_337 : memref<64xf32, #tpu.memory_space<hbm>>) target(%dma_start3A_334 : memref<64xf32, #tpu.memory_space<vmem>>) target_semaphore(%arg12 : memref<!tpu.dma_semaphore, #tpu.memory_space<semaphore_mem>>)
      %slice3A_338 = vector.extract_strided_slice %get3A_69 {offsets = [15], sizes = [1], strides = [1]} : vector<16xi32> to vector<1xi32>
      %squeeze3A_339 = vector.extract %slice3A_338[0] : i32 from vector<1xi32>
      %mul3A_340 = arith.constant 16 : i32
      %mul3A_341 = arith.muli %scan3A_63, %mul3A_340 : i32
      %add3A_342 = arith.constant 15 : i32
      %add3A_343 = arith.addi %mul3A_341, %add3A_342 : i32
      %dma_start3A_344 = arith.constant 0 : i32
      %dma_start3A_345 = tpu.memref_slice %arg8[%add3A_343, %dma_start3A_344] : memref<256x64xf32, #tpu.memory_space<vmem>> -> memref<1x64xf32, #tpu.memory_space<vmem>>
      %dma_start3A_346 = tpu.memref_squeeze %dma_start3A_345 : memref<1x64xf32, #tpu.memory_space<vmem>> -> memref<64xf32, #tpu.memory_space<vmem>>
      %dma_start3A_347 = arith.constant 0 : i32
      %dma_start3A_348 = tpu.memref_slice %arg4[%squeeze3A_339, %dma_start3A_347] : memref<100000x64xf32, #tpu.memory_space<hbm>> -> memref<1x64xf32, #tpu.memory_space<hbm>>
      %dma_start3A_349 = tpu.memref_squeeze %dma_start3A_348 : memref<1x64xf32, #tpu.memory_space<hbm>> -> memref<64xf32, #tpu.memory_space<hbm>>
      %dma_start3A_350 = arith.constant 0 : i32
      %dma_start3A_351 = tpu.memref_slice %arg8[%add3A_343, %dma_start3A_350] : memref<256x64xf32, #tpu.memory_space<vmem>> -> memref<1x64xf32, #tpu.memory_space<vmem>>
      %dma_start3A_352 = tpu.memref_squeeze %dma_start3A_351 : memref<1x64xf32, #tpu.memory_space<vmem>> -> memref<64xf32, #tpu.memory_space<vmem>>
      %dma_start3A_353 = arith.constant 0 : i32
      %dma_start3A_354 = tpu.memref_slice %arg4[%squeeze3A_339, %dma_start3A_353] : memref<100000x64xf32, #tpu.memory_space<hbm>> -> memref<1x64xf32, #tpu.memory_space<hbm>>
      %dma_start3A_355 = tpu.memref_squeeze %dma_start3A_354 : memref<1x64xf32, #tpu.memory_space<hbm>> -> memref<64xf32, #tpu.memory_space<hbm>>
      tpu.enqueue_dma source(%dma_start3A_355 : memref<64xf32, #tpu.memory_space<hbm>>) target(%dma_start3A_352 : memref<64xf32, #tpu.memory_space<vmem>>) target_semaphore(%arg12 : memref<!tpu.dma_semaphore, #tpu.memory_space<semaphore_mem>>)
      %scan3A_356 = arith.constant 0 : i32
      scf.yield %scan3A_356 : i32
    }
    %scan3A_18 = arith.constant 16 : i32
    %broadcast_in_dim3A = arith.constant 0.000000e+00 : f32
    %broadcast_in_dim3A_19 = vector.broadcast %broadcast_in_dim3A : f32 to vector<16xf32>
    %dma_wait3A = arith.constant 0 : i32
    %dma_wait3A_20 = arith.constant 0 : i32
    %dma_wait3A_21 = tpu.memref_slice %arg2[%dma_wait3A, %dma_wait3A_20] : memref<16384x64xf32, #tpu.memory_space<hbm>> -> memref<256x64xf32, #tpu.memory_space<hbm>>
    %dma_wait3A_22 = arith.constant 0 : i32
    %dma_wait3A_23 = arith.constant 0 : i32
    %dma_wait3A_24 = tpu.memref_slice %arg2[%dma_wait3A_22, %dma_wait3A_23] : memref<16384x64xf32, #tpu.memory_space<hbm>> -> memref<256x64xf32, #tpu.memory_space<hbm>>
    tpu.wait_dma2 semaphore(%arg11 : memref<!tpu.dma_semaphore, #tpu.memory_space<semaphore_mem>>) src(%dma_wait3A_24 : memref<256x64xf32, #tpu.memory_space<hbm>>) dst(%arg7 : memref<256x64xf32, #tpu.memory_space<vmem>>)
    %dma_wait3A_25 = arith.constant 0 : i32
    %dma_wait3A_26 = tpu.memref_slice %arg2[%mul3A_2, %dma_wait3A_25] : memref<16384x64xf32, #tpu.memory_space<hbm>> -> memref<256x64xf32, #tpu.memory_space<hbm>>
    %dma_wait3A_27 = arith.constant 0 : i32
    %dma_wait3A_28 = tpu.memref_slice %arg2[%mul3A_2, %dma_wait3A_27] : memref<16384x64xf32, #tpu.memory_space<hbm>> -> memref<256x64xf32, #tpu.memory_space<hbm>>
    tpu.wait_dma2 semaphore(%arg13 : memref<!tpu.dma_semaphore, #tpu.memory_space<semaphore_mem>>) src(%dma_wait3A_28 : memref<256x64xf32, #tpu.memory_space<hbm>>) dst(%arg9 : memref<256x64xf32, #tpu.memory_space<vmem>>)
    %scan3A_29 = arith.constant 0 : i32
    %scan3A_30 = arith.constant 256 : i32
    %scan3A_31 = arith.addi %scan3A_29, %scan3A_30 : i32
    %scan3A_32 = arith.constant 1 : i32
    %scan3A_33:4 = scf.for %scan3A_63 = %scan3A_29 to %scan3A_31 step %scan3A_32 iter_args(%scan3A_64 = %broadcast_in_dim3A_19, %scan3A_65 = %broadcast_in_dim3A_19, %scan3A_66 = %broadcast_in_dim3A_19, %scan3A_67 = %broadcast_in_dim3A_19) -> (vector<16xf32>, vector<16xf32>, vector<16xf32>, vector<16xf32>)  : i32 {
      %get3A = arith.index_cast %scan3A_63 : i32 to index
      %get3A_68 = arith.constant 0 : index
      %get3A_69 = tpu.vector_load %arg9[%get3A, %get3A_68] {strides = array<i32>} : memref<256x64xf32, #tpu.memory_space<vmem>>, vector<16xf32>,
      %get3A_70 = arith.index_cast %scan3A_63 : i32 to index
      %get3A_71 = arith.constant 0 : index
      %get3A_72 = tpu.vector_load %arg7[%get3A_70, %get3A_71] {strides = array<i32>} : memref<256x64xf32, #tpu.memory_space<vmem>>, vector<16xf32>,
      %sub3A = arith.subf %get3A_69, %get3A_72 : vector<16xf32>
      %mul3A_73 = arith.mulf %sub3A, %sub3A : vector<16xf32>
      %add3A_74 = arith.addf %scan3A_64, %mul3A_73 : vector<16xf32>
      %get3A_75 = arith.index_cast %scan3A_63 : i32 to index
      %get3A_76 = arith.constant 16 : index
      %get3A_77 = tpu.vector_load %arg9[%get3A_75, %get3A_76] {strides = array<i32>} : memref<256x64xf32, #tpu.memory_space<vmem>>, vector<16xf32>,
      %get3A_78 = arith.index_cast %scan3A_63 : i32 to index
      %get3A_79 = arith.constant 16 : index
      %get3A_80 = tpu.vector_load %arg7[%get3A_78, %get3A_79] {strides = array<i32>} : memref<256x64xf32, #tpu.memory_space<vmem>>, vector<16xf32>,
      %sub3A_81 = arith.subf %get3A_77, %get3A_80 : vector<16xf32>
      %mul3A_82 = arith.mulf %sub3A_81, %sub3A_81 : vector<16xf32>
      %add3A_83 = arith.addf %scan3A_65, %mul3A_82 : vector<16xf32>
      %get3A_84 = arith.index_cast %scan3A_63 : i32 to index
      %get3A_85 = arith.constant 32 : index
      %get3A_86 = tpu.vector_load %arg9[%get3A_84, %get3A_85] {strides = array<i32>} : memref<256x64xf32, #tpu.memory_space<vmem>>, vector<16xf32>,
      %get3A_87 = arith.index_cast %scan3A_63 : i32 to index
      %get3A_88 = arith.constant 32 : index
      %get3A_89 = tpu.vector_load %arg7[%get3A_87, %get3A_88] {strides = array<i32>} : memref<256x64xf32, #tpu.memory_space<vmem>>, vector<16xf32>,
      %sub3A_90 = arith.subf %get3A_86, %get3A_89 : vector<16xf32>
      %mul3A_91 = arith.mulf %sub3A_90, %sub3A_90 : vector<16xf32>
      %add3A_92 = arith.addf %scan3A_66, %mul3A_91 : vector<16xf32>
      %get3A_93 = arith.index_cast %scan3A_63 : i32 to index
      %get3A_94 = arith.constant 48 : index
      %get3A_95 = tpu.vector_load %arg9[%get3A_93, %get3A_94] {strides = array<i32>} : memref<256x64xf32, #tpu.memory_space<vmem>>, vector<16xf32>,
      %get3A_96 = arith.index_cast %scan3A_63 : i32 to index
      %get3A_97 = arith.constant 48 : index
      %get3A_98 = tpu.vector_load %arg7[%get3A_96, %get3A_97] {strides = array<i32>} : memref<256x64xf32, #tpu.memory_space<vmem>>, vector<16xf32>,
      %sub3A_99 = arith.subf %get3A_95, %get3A_98 : vector<16xf32>
      %mul3A_100 = arith.mulf %sub3A_99, %sub3A_99 : vector<16xf32>
      %add3A_101 = arith.addf %scan3A_67, %mul3A_100 : vector<16xf32>
      scf.yield %add3A_74, %add3A_83, %add3A_92, %add3A_101 : vector<16xf32>, vector<16xf32>, vector<16xf32>, vector<16xf32>
    }
    %scan3A_34 = arith.constant 256 : i32
    %add3A_35 = arith.constant 256 : i32
    %add3A_36 = arith.addi %mul3A_2, %add3A_35 : i32
    %dma_start3A_37 = arith.constant 0 : i32
    %dma_start3A_38 = tpu.memref_slice %arg2[%add3A_36, %dma_start3A_37] : memref<16384x64xf32, #tpu.memory_space<hbm>> -> memref<256x64xf32, #tpu.memory_space<hbm>>
    %dma_start3A_39 = arith.constant 0 : i32
    %dma_start3A_40 = tpu.memref_slice %arg2[%add3A_36, %dma_start3A_39] : memref<16384x64xf32, #tpu.memory_space<hbm>> -> memref<256x64xf32, #tpu.memory_space<hbm>>
    tpu.enqueue_dma source(%dma_start3A_40 : memref<256x64xf32, #tpu.memory_space<hbm>>) target(%arg9 : memref<256x64xf32, #tpu.memory_space<vmem>>) target_semaphore(%arg13 : memref<!tpu.dma_semaphore, #tpu.memory_space<semaphore_mem>>)
    %dma_wait3A_41 = arith.constant 0 : i32
    %dma_wait3A_42 = arith.constant 0 : i32
    %dma_wait3A_43 = tpu.memref_slice %arg2[%dma_wait3A_41, %dma_wait3A_42] : memref<16384x64xf32, #tpu.memory_space<hbm>> -> memref<256x64xf32, #tpu.memory_space<hbm>>
    %dma_wait3A_44 = arith.constant 0 : i32
    %dma_wait3A_45 = arith.constant 0 : i32
    %dma_wait3A_46 = tpu.memref_slice %arg2[%dma_wait3A_44, %dma_wait3A_45] : memref<16384x64xf32, #tpu.memory_space<hbm>> -> memref<256x64xf32, #tpu.memory_space<hbm>>
    tpu.wait_dma2 semaphore(%arg12 : memref<!tpu.dma_semaphore, #tpu.memory_space<semaphore_mem>>) src(%dma_wait3A_46 : memref<256x64xf32, #tpu.memory_space<hbm>>) dst(%arg8 : memref<256x64xf32, #tpu.memory_space<vmem>>)
    %dma_wait3A_47 = arith.constant 0 : i32
    %dma_wait3A_48 = tpu.memref_slice %arg2[%add3A_36, %dma_wait3A_47] : memref<16384x64xf32, #tpu.memory_space<hbm>> -> memref<256x64xf32, #tpu.memory_space<hbm>>
    %dma_wait3A_49 = arith.constant 0 : i32
    %dma_wait3A_50 = tpu.memref_slice %arg2[%add3A_36, %dma_wait3A_49] : memref<16384x64xf32, #tpu.memory_space<hbm>> -> memref<256x64xf32, #tpu.memory_space<hbm>>
    tpu.wait_dma2 semaphore(%arg13 : memref<!tpu.dma_semaphore, #tpu.memory_space<semaphore_mem>>) src(%dma_wait3A_50 : memref<256x64xf32, #tpu.memory_space<hbm>>) dst(%arg9 : memref<256x64xf32, #tpu.memory_space<vmem>>)
    %scan3A_51 = arith.constant 0 : i32
    %scan3A_52 = arith.constant 256 : i32
    %scan3A_53 = arith.addi %scan3A_51, %scan3A_52 : i32
    %scan3A_54 = arith.constant 1 : i32
    %scan3A_55:4 = scf.for %scan3A_63 = %scan3A_51 to %scan3A_53 step %scan3A_54 iter_args(%scan3A_64 = %scan3A_33#0, %scan3A_65 = %scan3A_33#1, %scan3A_66 = %scan3A_33#2, %scan3A_67 = %scan3A_33#3) -> (vector<16xf32>, vector<16xf32>, vector<16xf32>, vector<16xf32>)  : i32 {
      %get3A = arith.index_cast %scan3A_63 : i32 to index
      %get3A_68 = arith.constant 0 : index
      %get3A_69 = tpu.vector_load %arg9[%get3A, %get3A_68] {strides = array<i32>} : memref<256x64xf32, #tpu.memory_space<vmem>>, vector<16xf32>,
      %get3A_70 = arith.index_cast %scan3A_63 : i32 to index
      %get3A_71 = arith.constant 0 : index
      %get3A_72 = tpu.vector_load %arg8[%get3A_70, %get3A_71] {strides = array<i32>} : memref<256x64xf32, #tpu.memory_space<vmem>>, vector<16xf32>,
      %sub3A = arith.subf %get3A_69, %get3A_72 : vector<16xf32>
      %mul3A_73 = arith.mulf %sub3A, %sub3A : vector<16xf32>
      %add3A_74 = arith.addf %scan3A_64, %mul3A_73 : vector<16xf32>
      %get3A_75 = arith.index_cast %scan3A_63 : i32 to index
      %get3A_76 = arith.constant 16 : index
      %get3A_77 = tpu.vector_load %arg9[%get3A_75, %get3A_76] {strides = array<i32>} : memref<256x64xf32, #tpu.memory_space<vmem>>, vector<16xf32>,
      %get3A_78 = arith.index_cast %scan3A_63 : i32 to index
      %get3A_79 = arith.constant 16 : index
      %get3A_80 = tpu.vector_load %arg8[%get3A_78, %get3A_79] {strides = array<i32>} : memref<256x64xf32, #tpu.memory_space<vmem>>, vector<16xf32>,
      %sub3A_81 = arith.subf %get3A_77, %get3A_80 : vector<16xf32>
      %mul3A_82 = arith.mulf %sub3A_81, %sub3A_81 : vector<16xf32>
      %add3A_83 = arith.addf %scan3A_65, %mul3A_82 : vector<16xf32>
      %get3A_84 = arith.index_cast %scan3A_63 : i32 to index
      %get3A_85 = arith.constant 32 : index
      %get3A_86 = tpu.vector_load %arg9[%get3A_84, %get3A_85] {strides = array<i32>} : memref<256x64xf32, #tpu.memory_space<vmem>>, vector<16xf32>,
      %get3A_87 = arith.index_cast %scan3A_63 : i32 to index
      %get3A_88 = arith.constant 32 : index
      %get3A_89 = tpu.vector_load %arg8[%get3A_87, %get3A_88] {strides = array<i32>} : memref<256x64xf32, #tpu.memory_space<vmem>>, vector<16xf32>,
      %sub3A_90 = arith.subf %get3A_86, %get3A_89 : vector<16xf32>
      %mul3A_91 = arith.mulf %sub3A_90, %sub3A_90 : vector<16xf32>
      %add3A_92 = arith.addf %scan3A_66, %mul3A_91 : vector<16xf32>
      %get3A_93 = arith.index_cast %scan3A_63 : i32 to index
      %get3A_94 = arith.constant 48 : index
      %get3A_95 = tpu.vector_load %arg9[%get3A_93, %get3A_94] {strides = array<i32>} : memref<256x64xf32, #tpu.memory_space<vmem>>, vector<16xf32>,
      %get3A_96 = arith.index_cast %scan3A_63 : i32 to index
      %get3A_97 = arith.constant 48 : index
      %get3A_98 = tpu.vector_load %arg8[%get3A_96, %get3A_97] {strides = array<i32>} : memref<256x64xf32, #tpu.memory_space<vmem>>, vector<16xf32>,
      %sub3A_99 = arith.subf %get3A_95, %get3A_98 : vector<16xf32>
      %mul3A_100 = arith.mulf %sub3A_99, %sub3A_99 : vector<16xf32>
      %add3A_101 = arith.addf %scan3A_67, %mul3A_100 : vector<16xf32>
      scf.yield %add3A_74, %add3A_83, %add3A_92, %add3A_101 : vector<16xf32>, vector<16xf32>, vector<16xf32>, vector<16xf32>
    }
    %scan3A_56 = arith.constant 256 : i32
    %add3A_57 = arith.addf %scan3A_55#0, %scan3A_55#1 : vector<16xf32>
    %add3A_58 = arith.addf %scan3A_55#2, %scan3A_55#3 : vector<16xf32>
    %add3A_59 = arith.addf %add3A_57, %add3A_58 : vector<16xf32>
    %swap3A = arith.constant 0 : index
    %swap3A_60 = tpu.vector_load %arg10[%swap3A] {strides = array<i32>} : memref<16xf32, #tpu.memory_space<vmem>>, vector<16xf32>,
    tpu.vector_store %arg10[%swap3A], %add3A_59 {strides = array<i32>} : memref<16xf32, #tpu.memory_space<vmem>>, vector<16xf32>,
    %mul3A_61 = arith.constant 16 : i32
    %mul3A_62 = arith.muli %add3A, %mul3A_61 : i32
    "tpu.region"() ({
      %run_scoped3A = tpu.sem_alloc : memref<!tpu.dma_semaphore, #tpu.memory_space<semaphore_mem>>
      %dma_start3A_63 = tpu.memref_slice %arg5[%mul3A_62] : memref<512xf32, #tpu.memory_space<hbm>> -> memref<16xf32, #tpu.memory_space<hbm>>
      %dma_start3A_64 = tpu.memref_slice %arg5[%mul3A_62] : memref<512xf32, #tpu.memory_space<hbm>> -> memref<16xf32, #tpu.memory_space<hbm>>
      tpu.enqueue_dma source(%arg10 : memref<16xf32, #tpu.memory_space<vmem>>) target(%dma_start3A_64 : memref<16xf32, #tpu.memory_space<hbm>>) target_semaphore(%run_scoped3A : memref<!tpu.dma_semaphore, #tpu.memory_space<semaphore_mem>>)
      %dma_wait3A_65 = tpu.memref_slice %arg5[%mul3A_62] : memref<512xf32, #tpu.memory_space<hbm>> -> memref<16xf32, #tpu.memory_space<hbm>>
      %dma_wait3A_66 = tpu.memref_slice %arg5[%mul3A_62] : memref<512xf32, #tpu.memory_space<hbm>> -> memref<16xf32, #tpu.memory_space<hbm>>
      tpu.wait_dma2 semaphore(%run_scoped3A : memref<!tpu.dma_semaphore, #tpu.memory_space<semaphore_mem>>) src(%arg10 : memref<16xf32, #tpu.memory_space<vmem>>) dst(%dma_wait3A_66 : memref<16xf32, #tpu.memory_space<hbm>>)
      tpu.yield
    }) : () -> ()
    return
  }
}

</mosaic_0001>

<sc_bundles>
// kernel: kernel.3.cloned.1.call-start
scs
__scs_entry_jumppad:
0x0: {  	(pc) =	sbr.rel $0x88, $3  }
0x1: {  	(tag) =	ssettag $0x0;
	lr =	simm.s32 $0x1  }
0x2: {  	[smem:$0x3F9E] =	sst lr;
	_ =	strace $0xD0000000  }
0x3: {  	_ = 	snop  }
0x4: {  	_ = 	snop  }
0x5: {  	_ = 	snop  }
0x6: {  	_ = 	snop  }
0x7: {  	_ = 	snop  }
__scs_overlays_trampoline_lowered:
0x8: {  	[smem:$0x3FAD] =	sst s0  }
0x9: {  	[smem:$0x3FAE] =	sst s1  }
0xa: {  	[smem:$0x3FAF] =	sst s2  }
0xb: {  	[smem:$0x3FB0] =	sst s3  }
0xc: {  	[smem:$0x3FB1] =	sst s4  }
0xd: {  	[smem:$0x3FB2] =	sst s5  }
0xe: {  	[smem:$0x3FB3] =	sst s6  }
0xf: {  	[smem:$0x3FB4] =	sst s7  }
0x10: {  	[smem:$0x3FB5] =	sst s8  }
0x11: {  	[smem:$0x3FB6] =	sst s9;
	s0 =	simm.s32 @!p0 $0x0  }
0x12: {  	s1 =	sld [smem:$0x3F9C];
	s0 =	simm.s32 @p0 $0x1  }
0x13: {  	[smem:$0x3FB7] =	sst s0;
	s0 =	simm.s32 @!p1 $0x0  }
0x14: {  	s2 =	sld [smem:$0x3F9B];
	s0 =	simm.s32 @p1 $0x1  }
0x15: {  	[smem:$0x3FB8] =	sst s0;
	s0 =	simm.s32 @!p2 $0x0  }
0x16: {  	s3 =	sld [smem:$0x3FDB];
	s0 =	simm.s32 @p2 $0x1  }
0x17: {  	s4 =	simm.s32 $0x1BF5;
	[smem:$0x3FBA] =	sst s0  }
0x18: {  	s0 =	sld [smem:$0x3F9D];
	_ =	swait.ge [sflag:s4], $0x0  }
0x19: {  	s7 =	sld [smem:$0x3F9E]  }
0x1a: {  	s8 =	sadd.s32 $0xFFFFE003, lr  }
0x1b: {  	s9 =	sadd.s32 $0xFFFFFEF7, lr;
	s5 =	simm.s32 $0xFFFFFFFF;
	p2 =	slt.u32 s8, $0xFFFFF086  }
0x1c: {  	p1 =	slt.u32 s9, $0xF7A;
	s5 =	simm.s32 @!p2 $0x0  }
0x1d: {  	s5 =	simm.s32 @p1 $0x1;
	p0 =	seq.s32 s7, s2  }
0x1e: {  	s7 =	smul.u32 @!p0 $0xF7A, s2;
	p2 =	seq.s32 @!p0 s5, $0x0  }
0x1f: {  	s9 =	smul.u32 $0xF7A, s1;
	s8 =	simm.s32 @!p0 $0x1BF5;
	p2 =	por !p2, p0  }
0x20: {  	[sflag:s8] =	ssyncset.s32 @!p0 $0xFFFFF086;
	s6 =	sadd.s32 @!p0 s3, s7;
	s7 =	simm.s32 @!p0 $0x108  }
0x21: {  	s3 =	sadd.s32 s3, s9;
	s6 =	sadd.s32 @!p0 $0x88, s6;
	s7 =	simm.s32 @p2 $0x1082  }
0x22: {  	[simem:s7], [sflag:s8] =	dma.local @!p0 [hbm:s6], $0xF7A  }
0x23: {  	s9 =	sor.u32 $0xD0000000, s2;
	s6 =	simm.s32 $0x108;
	_ =	swait.ge @!p0 [sflag:s8], $0x0  }
0x24: {  	s3 =	sadd.s32 $0x88, s3;
	s6 =	simm.s32 @!p1 $0x1082;
	[sflag:s4] =	ssyncset.s32 $0xFFFFF086  }
0x25: {  	[simem:s6], [sflag:s4] =	dma.local [hbm:s3], $0xF7A  }
0x26: {  	[smem:$0x3F9E] =	sst s1;
	(tag) =	ssettag s2;
	_ =	strace s9  }
0x27: {  	s1 =	sld [smem:$0x3FAE]  }
0x28: {  	s2 =	sld [smem:$0x3FAF]  }
0x29: {  	s4 =	sld [smem:$0x3FB1]  }
0x2a: {  	p0 =	seq.s32 s5, $0x0;
	s5 =	sld [smem:$0x3FB2]  }
0x2b: {  	s6 =	sld [smem:$0x3FB3]  }
0x2c: {  	s7 =	sld [smem:$0x3FB4]  }
0x2d: {  	s3 =	simm.s32 $0x108;
	s8 =	sld [smem:$0x3FB5]  }
0x2e: {  	s3 =	simm.s32 @!p0 $0x1082;
	s9 =	sld [smem:$0x3FB6]  }
0x2f: {  	lr =	sadd.s32 s0, s3;
	s0 =	sld [smem:$0x3FAD]  }
0x30: {  	s3 =	sld [smem:$0x3FB0]  }
0x31: {  	[smem:$0x3FB9] =	sst s10  }
0x32: {  	s10 =	sld [smem:$0x3FB7];
	_ =	sdelay $0x3  }
0x33: {  	p0 =	seq.s32 s10, $0x1;
	s10 =	sld [smem:$0x3FB9];
	_ =	sdelay $0x3  }
0x34: {  	[smem:$0x3FB9] =	sst s10  }
0x35: {  	s10 =	sld [smem:$0x3FB8];
	_ =	sdelay $0x3  }
0x36: {  	p1 =	seq.s32 s10, $0x1;
	s10 =	sld [smem:$0x3FB9];
	_ =	sdelay $0x3  }
0x37: {  	[smem:$0x3FB9] =	sst s10  }
0x38: {  	s10 =	sld [smem:$0x3FBA]  }
0x39: {  	_ = 	snop;
	(pc) =	sbr.ind lr, $3  }
0x3a: {  	_ = 	snop  }
0x3b: {  	_ = 	snop  }
0x3c: {  	p2 =	seq.s32 s10, $0x1;
	s10 =	sld [smem:$0x3FB9]  }
0x3d: {  	_ =	shalt  }
0x3e: {  	_ =	shalt  }
0x3f: {  	_ =	shalt  }
0x40: {  	_ =	shalt  }
0x41: {  	_ =	shalt  }
0x42: {  	_ =	shalt  }
0x43: {  	_ =	shalt  }
0x44: {  	_ =	shalt  }
0x45: {  	_ =	shalt  }
0x46: {  	_ =	shalt  }
0x47: {  	_ =	shalt  }
0x48: {  	_ =	shalt  }
0x49: {  	_ =	shalt  }
0x4a: {  	_ =	shalt  }
0x4b: {  	_ =	shalt  }
0x4c: {  	_ =	shalt  }
0x4d: {  	_ =	shalt  }
0x4e: {  	_ =	shalt  }
0x4f: {  	_ =	shalt  }
0x50: {  	_ =	shalt  }
0x51: {  	_ =	shalt  }
0x52: {  	_ =	shalt  }
0x53: {  	_ =	shalt  }
0x54: {  	_ =	shalt  }
0x55: {  	_ =	shalt  }
0x56: {  	_ =	shalt  }
0x57: {  	_ =	shalt  }
0x58: {  	_ =	shalt  }
0x59: {  	_ =	shalt  }
0x5a: {  	_ =	shalt  }
0x5b: {  	_ =	shalt  }
0x5c: {  	_ =	shalt  }
0x5d: {  	_ =	shalt  }
0x5e: {  	_ =	shalt  }
0x5f: {  	_ =	shalt  }
0x60: {  	_ =	shalt  }
0x61: {  	_ =	shalt  }
0x62: {  	_ =	shalt  }
0x63: {  	_ =	shalt  }
0x64: {  	_ =	shalt  }
0x65: {  	_ =	shalt  }
0x66: {  	_ =	shalt  }
0x67: {  	_ =	shalt  }
0x68: {  	_ =	shalt  }
0x69: {  	_ =	shalt  }
0x6a: {  	_ =	shalt  }
0x6b: {  	_ =	shalt  }
0x6c: {  	_ =	shalt  }
0x6d: {  	_ =	shalt  }
0x6e: {  	_ =	shalt  }
0x6f: {  	_ =	shalt  }
0x70: {  	_ =	shalt  }
0x71: {  	_ =	shalt  }
0x72: {  	_ =	shalt  }
0x73: {  	_ =	shalt  }
0x74: {  	_ =	shalt  }
0x75: {  	_ =	shalt  }
0x76: {  	_ =	shalt  }
0x77: {  	_ =	shalt  }
0x78: {  	_ =	shalt  }
0x79: {  	_ =	shalt  }
0x7a: {  	_ =	shalt  }
0x7b: {  	_ =	shalt  }
0x7c: {  	_ =	shalt  }
0x7d: {  	_ =	shalt  }
0x7e: {  	_ =	shalt  }
0x7f: {  	_ =	shalt  }
0x80: {  	_ =	shalt  }
0x81: {  	_ =	shalt  }
0x82: {  	_ =	shalt  }
0x83: {  	_ =	shalt  }
0x84: {  	_ =	shalt  }
0x85: {  	_ =	shalt  }
0x86: {  	_ =	shalt  }
0x87: {  	_ =	shalt  }
.Lfunc_end0:
.L_simem_size_0:
called_computation_lowered:
.L_overlay_start_0:
0x88: {  	s2 =	sld [smem:$0x3FD9]  }
0x89: {  	s3 =	sld [smem:$0x3FFE];
	_ =	sdelay $0x1  }
0x8a: {  	s1 =	srdreg.scid  }
0x8b: {  	s0 =	sand.u32 $0x1, s1  }
0x8c: {  	s17 =	sshll.u32 s0, $0xA;
	s2 =	sadd.s32 s3, s2  }
0x8d: {  	s2 =	sadd.s32 s2, s17  }
0x8e: {  	[smem:$0x3FC5] =	sst s2  }
0x8f: {  	_ = 	snop  }
0x90: {  	s2 =	sld [smem:$0x3FC8];
	(tm) =	ssettm $0x1  }
0x91: {  	s18 =	sld [smem:$0x3FFB];
	_ =	sdelay $0x3  }
0x92: {  	_ =	strace s18  }
0x93: {  	s3 =	sld [smem:$0x3FFC];
	_ =	sdelay $0x3  }
0x94: {  	_ =	strace s3  }
0x95: {  	s3 =	sld [smem:$0x3FFD];
	_ =	sdelay $0x3  }
0x96: {  	_ =	strace s3  }
0x97: {  	_ =	strace $0x8FFFFFFF  }
0x98: {  	s19 =	sld [smem:$0x3FDB];
	_ =	sdelay $0x1  }
0x99: {  	s4 =	simm.s32 $_scs_section_size  }
0x9a: {  	s5 =	simm.s32 $_size__tile_overlayer_lowered;
	s6 =	simm.s32 $_tile_overlayer_lowered  }
0x9b: {  	s22 =	simm.s32 $0x1BFF;
	s21 =	sshll.u32 s6, $0x1;
	s3 =	sadd.s32 s4, s19  }
0x9c: {  	s7 =	simm.s32 $0x0;
	s20 =	sshll.u32 s5, $0x1;
	s5 =	sadd.s32 s21, s3  }
0x9d: {  	[timem:s7], [sflag:s22] =	dma.local [hbm:s5], s20  }
0x9e: {  	_ =	swait.ge [sflag:s22], s20  }
0x9f: {  	s4 =	ssub.s32 $0x0, s20;
	[sflag:s22] =	ssyncset.done $0x0  }
0xa0: {  	[sflag:s22] =	ssyncadd.s32 s4;
	_ =	sdelay $0x1  }
0xa1: {  	s23 =	simm.s32 $0x1B8B  }
0xa2: {  	_ =	swait.ge [sflag:s23], $0x1  }
0xa3: {  	[sflag:s23] =	ssyncset.done $0x0  }
0xa4: {  	s25 =	simm.s32 $0x1B8E;
	s24 =	sld [smem:$0x3FFE];
	[sflag:s23] =	ssyncadd.s32 $0xFFFFFFFF  }
0xa5: {  	s26 =	simm.s32 $execute0_lowered;
	[smem:$0x3FD2] =	sst s25  }
0xa6: {  	s5 =	sshll.u32 s26, $0x1;
	_ =	strace $0x80000046;
	[dreg:$0x1] =	wrdreg $0xFFFFFFFF  }
0xa7: {  	s28 =	simm.s32 $_size_execute0_lowered;
	s3 =	sadd.s32 s3, s5;
	[dreg:$0x0] =	wrdreg $0x0  }
0xa8: {  	s5 =	sshll.u32 s28, $0x1;
	[dreg:$0x2] =	wrdreg s3  }
0xa9: {  	[dreg:$0x3] =	wrdreg s5  }
0xaa: {  	[dreg:$0x4] =	wrdreg $0xC0  }
0xab: {  	_ =	task [dreg:s7], $0x5FFFF  }
0xac: {  	[dreg:$0x1] =	wrdreg $0xFFFFFFFF  }
0xad: {  	[dreg:$0x0] =	wrdreg $0x60  }
0xae: {  	[dreg:$0x2] =	wrdreg s24  }
0xaf: {  	[dreg:$0x3] =	wrdreg s2  }
0xb0: {  	[dreg:$0x4] =	wrdreg $0x9  }
0xb1: {  	_ =	task.clear_ibuf [dreg:s7], $0x5FFFF;
	_ =	strace $0x90000046  }
0xb2: {  	s29 =	simm.s32 $0x9;
	_ =	strace $0x80000048  }
0xb3: {  	_ =	swait.ge [sflag:s29], $0x1  }
0xb4: {  	[sflag:s29] =	ssyncadd.s32 $0xFFFFFFFF  }
0xb5: {  	_ =	strace $0x90000048  }
0xb6: {  	_ =	sfence  }
0xb7: {  	s30 =	sld [smem:$0x0];
	_ =	sdelay $0x2  }
0xb8: {  	s31 =	sshll.u32 s1, $0xD;
	s1 =	sshrl.u32 s1, $0x2  }
0xb9: {  	s3 =	sand.u32 $0x4000, s31;
	s1 =	sadd.s32 s1, s30  }
0xba: {  	s0 =	sor.u32 s3, s0;
	s1 =	sshll.u32 s1, $0x11  }
0xbb: {  	s0 =	sor.u32 s1, s0  }
0xbc: {  	s0 =	sadd.s32 $0x8F2B, s0  }
0xbd: {  	[sflag:s0] =	ssyncadd.remote.s32 $0x1  }
0xbe: {  	_ =	sfence.sel $0xFFFF  }
0xbf: {  	[dreg:$0x0] =	wrdreg $0xFFFFFFFF;
	(pc) =	sbr.abs _section_cstart, $3  }
0xc0: {  	[dreg:$0x1] =	wrdreg $0xFFFFFFFF  }
0xc1: {  	_ =	task.clear_ibuf [dreg:s7], $0x2FFFF;
	_ =	strace $0x9FFFFFFF  }
0xc2: {  	(tm) =	ssettm $0x7FFFFFFF  }
0xc3: {  	_ =	shalt  }
tec
execute0_lowered:
.L_overlay_start_1:
0x0: {  	(tag) =	ssettag $0x1  }
0x1: {  	s4 =	rddreg [dreg:$0x0]  }
0x2: {  	s5 =	rddreg [dreg:$0x1]  }
0x3: {  	s3 =	srdreg.scid;
	s0 =	stileid.u32  }
0x4: {  	s2 =	simm.s32 $0x0;
	s1 =	simm.s32 $0x10200;
	s11 =	simm.s32 $0x1  }
0x5: {  	s12 =	simm.s32 $0x3;
	s13 =	simm.s32 $0x2;
	s15 =	simm.s32 $0x0  }
0x6: {  	s6 =	sand.u32 $0x1, s3;
	s28 =	sshll.u32 s0, $0x1;
	[smem:$0x7FF] =	sst s2  }
0x7: {  	s3 =	sadd.s32 $0x40000, s4;
	s7 =	sor.u32 s6, s28;
	_ =	strace $0x80000047  }
0x8: {  	s6 =	ssub.s32 $0x2, s6;
	s8 =	sshll.u32 s7, $0x1;
	s9 =	sshll.u32 s7, $0xD  }
0x9: {  	s10 =	sshrl.u32 s6, $0x1;
	s7 =	sshll.u32 s7, $0x6;
	s8 =	sadd.s32 s8, s4  }
0xa: {  	s4 =	sadd.s32 s4, s9;
	s29 =	ssub.s32 s6, s10;
	s30 =	sadd.s32 s5, s7  }
0xb: {  	s9 =	simm.s32 $0x4;
	[dreg:$0x3] =	wrdreg s30;
	s31 =	sadd.s32 $0x1000, s4  }
0xc: {  	s7 =	sadd.s32 $0x1C6A00, s8;
	s8 =	smax.u32 s29, $0x1;
	[dreg:$0x4] =	wrdreg s31  }
.LBB2_1:
0xd: {  	s0 =	rddreg [dreg:$0x3]  }
0xe: {  	[tilespmem:s2], [sflag:$0x4] =	stream.linear.gather [hbm4b:s0+s2], $0x200, $0x38;
	[tilespmem:$0x18280] =	vst v63  }
0xf: {  	_ =	swait.ge [sflag:s9], $0x200  }
0x10: {  	[sflag:s9] =	ssyncset.done $0x0  }
0x11: {  	[sflag:s9] =	ssyncadd.s32 $0xFFFFFE00  }
0x12: {  	[tilespmem:s1], [sflag:$0x3] =	stream.linear.gather [hbm4b:s4+s2], $0x8000, $0x38;
	[tilespmem:$0x18280] =	vst v63  }
0x13: {  	v0 =	vld [tilespmem:s2+$0x0];
	_ =	sdelay $0x4  }
0x14: {  	v0 =	vshll.u32 v0, $0x4  }
0x15: {  	(v2sf) =	vpush v0, $0x0  }
0x16: {  	(v2sf) =	vpush v0, $0x1  }
0x17: {  	(v2sf) =	vpush v0, $0x2;
	_ =	sdelay $0x1  }
0x18: {  	(v2sf) =	vpush v0, $0x4;
	_ =	sdelay $0x1  }
0x19: {  	(v2sf) =	vpush v0, $0x3  }
0x1a: {  	(v2sf) =	vpush v0, $0x5  }
0x1b: {  	s18 =	simm.s32 $0x2000;
	s17 =	simm.s32 $0x0;
	s19 =	simm.s32 $0x0;
	(v2sf) =	vpush v0, $0x6  }
.LBB2_2:
0x1c: {  	p0 =	sne.s32 s18, $0x1E000  }
0x1d: {  	s30 =	sadd.s32 $0x280, s17;
	s23 =	sadd.s32 $0x780, s17;
	s20 =	smov.u32 s18  }
0x1e: {  	s18 =	sadd.s32 $0x2000, s18;
	s26 =	sadd.s32 $0x580, s17;
	s21 =	sadd.s32 $0x800, s17;
	(v2sf) =	vpush v0, $0x7  }
0x1f: {  	s29 =	sadd.s32 $0x480, s17;
	s24 =	sadd.s32 $0x600, s17;
	s22 =	sadd.s32 $0x880, s17  }
0x20: {  	s31 =	sadd.s32 $0x200, s17;
	s0 =	sadd.s32 $0x400, s17;
	(v2sf) =	vpush v0, $0x8  }
0x21: {  	s16 =	simm.s32 $0x0;
	s1 =	sadd.s32 $0x500, s17;
	s19 =	sadd.s32 $0x10, s19  }
0x22: {  	s14 =	sadd.s32 $0x300, s17;
	s25 =	sadd.s32 $0x700, s17;
	s28 =	spop (v2sf);
	(v2sf) =	vpush v0, $0x9  }
0x23: {  	s10 =	sand.u32 $0x1FFFFFF0, s28;
	s28 =	sadd.s32 $0x680, s17;
	s5 =	spop (v2sf)  }
0x24: {  	s10 =	sadd.s32 s3, s10;
	s5 =	sand.u32 $0x1FFFFFF0, s5;
	s6 =	spop (v2sf);
	(v2sf) =	vpush v0, $0xA  }
0x25: {  	[tilespmem:s31], [sflag:$0x1] =	stream.linear.gather [hbm4b:s10+s16], $0x80, $0x38;
	[tilespmem:$0x18280] =	vst v63  }
0x26: {  	s5 =	sadd.s32 s3, s5;
	s10 =	sadd.s32 $0x380, s17;
	s31 =	spop (v2sf);
	(v2sf) =	vpush v0, $0xB  }
0x27: {  	[tilespmem:s30], [sflag:$0x1] =	stream.linear.gather [hbm4b:s5+s16], $0x80, $0x38;
	[tilespmem:$0x18280] =	vst v63  }
0x28: {  	s5 =	sand.u32 $0x1FFFFFF0, s6;
	s6 =	sand.u32 $0x1FFFFFF0, s31;
	s30 =	spop (v2sf);
	(v2sf) =	vpush v0, $0xC  }
0x29: {  	s5 =	sadd.s32 s3, s5;
	s30 =	sand.u32 $0x1FFFFFF0, s30;
	s31 =	spop (v2sf)  }
0x2a: {  	[tilespmem:s14], [sflag:$0x1] =	stream.linear.gather [hbm4b:s5+s16], $0x80, $0x38;
	(v2sf) =	vpush v0, $0xD;
	[tilespmem:$0x18280] =	vst v63  }
0x2b: {  	s5 =	sadd.s32 s3, s30;
	s14 =	sand.u32 $0x1FFFFFF0, s31;
	s30 =	spop (v2sf)  }
0x2c: {  	[tilespmem:s10], [sflag:$0x1] =	stream.linear.gather [hbm4b:s5+s16], $0x80, $0x38;
	(v2sf) =	vpush v0, $0xE;
	[tilespmem:$0x18280] =	vst v63  }
0x2d: {  	s5 =	sadd.s32 s3, s6;
	s6 =	sand.u32 $0x1FFFFFF0, s30;
	s10 =	spop (v2sf)  }
0x2e: {  	[tilespmem:s0], [sflag:$0x1] =	stream.linear.gather [hbm4b:s5+s16], $0x80, $0x38;
	(v2sf) =	vpush v0, $0xF;
	[tilespmem:$0x18280] =	vst v63  }
0x2f: {  	s0 =	sadd.s32 s3, s14;
	s5 =	sand.u32 $0x1FFFFFF0, s10;
	s10 =	spop (v2sf)  }
0x30: {  	[tilespmem:s29], [sflag:$0x1] =	stream.linear.gather [hbm4b:s0+s16], $0x80, $0x38;
	[tilespmem:$0x18280] =	vst v63  }
0x31: {  	s0 =	sadd.s32 s3, s6;
	s6 =	sand.u32 $0x1FFFFFF0, s10;
	s10 =	spop (v2sf)  }
0x32: {  	[tilespmem:s1], [sflag:$0x1] =	stream.linear.gather [hbm4b:s0+s16], $0x80, $0x38;
	[tilespmem:$0x18280] =	vst v63  }
0x33: {  	s0 =	sadd.s32 s3, s5;
	s1 =	sand.u32 $0x1FFFFFF0, s10;
	s5 =	spop (v2sf)  }
0x34: {  	[tilespmem:s26], [sflag:$0x1] =	stream.linear.gather [hbm4b:s0+s16], $0x80, $0x38;
	[tilespmem:$0x18280] =	vst v63  }
0x35: {  	s0 =	sadd.s32 s3, s6;
	s5 =	sand.u32 $0x1FFFFFF0, s5;
	s6 =	spop (v2sf)  }
0x36: {  	[tilespmem:s24], [sflag:$0x1] =	stream.linear.gather [hbm4b:s0+s16], $0x80, $0x38;
	[tilespmem:$0x18280] =	vst v63  }
0x37: {  	s0 =	sadd.s32 s3, s1;
	s1 =	sand.u32 $0x1FFFFFF0, s6;
	s6 =	spop (v2sf)  }
0x38: {  	[tilespmem:s28], [sflag:$0x1] =	stream.linear.gather [hbm4b:s0+s16], $0x80, $0x38;
	[tilespmem:$0x18280] =	vst v63  }
0x39: {  	s0 =	sadd.s32 s3, s5;
	s5 =	sand.u32 $0x1FFFFFF0, s6;
	s6 =	spop (v2sf)  }
0x3a: {  	[tilespmem:s25], [sflag:$0x1] =	stream.linear.gather [hbm4b:s0+s16], $0x80, $0x38;
	[tilespmem:$0x18280] =	vst v63  }
0x3b: {  	s0 =	sadd.s32 s3, s1;
	s1 =	sand.u32 $0x1FFFFFF0, s6;
	s6 =	spop (v2sf)  }
0x3c: {  	[tilespmem:s23], [sflag:$0x1] =	stream.linear.gather [hbm4b:s0+s16], $0x80, $0x38;
	[tilespmem:$0x18280] =	vst v63  }
0x3d: {  	s0 =	sadd.s32 s3, s5;
	s5 =	sand.u32 $0x1FFFFFF0, s6;
	s6 =	spop (v2sf)  }
0x3e: {  	[tilespmem:s21], [sflag:$0x1] =	stream.linear.gather [hbm4b:s0+s16], $0x80, $0x38;
	[tilespmem:$0x18280] =	vst v63  }
0x3f: {  	s0 =	sadd.s32 s3, s1;
	s1 =	sand.u32 $0x1FFFFFF0, s6  }
0x40: {  	[tilespmem:s22], [sflag:$0x1] =	stream.linear.gather [hbm4b:s0+s16], $0x80, $0x38;
	[tilespmem:$0x18280] =	vst v63  }
0x41: {  	s5 =	sadd.s32 s3, s5;
	s0 =	sadd.s32 $0x900, s17  }
0x42: {  	[tilespmem:s0], [sflag:$0x1] =	stream.linear.gather [hbm4b:s5+s16], $0x80, $0x38;
	[tilespmem:$0x18280] =	vst v63  }
0x43: {  	s1 =	sadd.s32 s3, s1;
	s0 =	sadd.s32 $0x980, s17  }
0x44: {  	[tilespmem:s0], [sflag:$0x1] =	stream.linear.gather [hbm4b:s1+s16], $0x80, $0x38;
	[tilespmem:$0x18280] =	vst v63  }
0x45: {  	v0 =	vld [tilespmem:s19+$0x0];
	_ =	sdelay $0x4  }
0x46: {  	v0 =	vshll.u32 v0, $0x4  }
0x47: {  	(v2sf) =	vpush v0, $0x0  }
0x48: {  	(v2sf) =	vpush v0, $0x1  }
0x49: {  	(v2sf) =	vpush v0, $0x2;
	_ =	sdelay $0x1  }
0x4a: {  	(v2sf) =	vpush v0, $0x4  }
.Ltmp0:
0x4b: {  	(pc) =	sbr.rel @p0 .LBB2_2-.Ltmp0, $3  }
0x4c: {  	(v2sf) =	vpush v0, $0x3  }
0x4d: {  	(v2sf) =	vpush v0, $0x5;
	_ =	sdelay $0x1  }
0x4e: {  	s17 =	sshra.s32 s20, $0x2;
	(v2sf) =	vpush v0, $0x6  }
0x4f: {  	_ =	sdelay $0x1  }
0x50: {  	s0 =	sadd.s32 $0x280, s17;
	s20 =	sadd.s32 $0x780, s17  }
0x51: {  	s1 =	sadd.s32 $0x580, s17;
	s18 =	sadd.s32 $0x800, s17;
	(v2sf) =	vpush v0, $0x7;
	s5 =	sadd.s32 $0x480, s17  }
0x52: {  	s6 =	sadd.s32 $0x600, s17;
	s19 =	sadd.s32 $0x880, s17;
	s10 =	sadd.s32 $0x200, s17  }
0x53: {  	s14 =	sadd.s32 $0x400, s17;
	s21 =	sadd.s32 $0x500, s17;
	(v2sf) =	vpush v0, $0x8;
	s22 =	spop (v2sf)  }
0x54: {  	s23 =	sadd.s32 $0x300, s17;
	s22 =	sand.u32 $0x1FFFFFF0, s22;
	s24 =	spop (v2sf)  }
0x55: {  	(v2sf) =	vpush v0, $0x9;
	s22 =	sadd.s32 s3, s22;
	s24 =	sand.u32 $0x1FFFFFF0, s24;
	s25 =	spop (v2sf)  }
0x56: {  	[tilespmem:s10], [sflag:$0x1] =	stream.linear.gather [hbm4b:s22+s16], $0x80, $0x38;
	[tilespmem:$0x18280] =	vst v63  }
0x57: {  	s26 =	sadd.s32 $0x380, s17;
	(v2sf) =	vpush v0, $0xA;
	s30 =	sadd.s32 s3, s24;
	s31 =	spop (v2sf)  }
0x58: {  	[tilespmem:s0], [sflag:$0x1] =	stream.linear.gather [hbm4b:s30+s16], $0x80, $0x38;
	[tilespmem:$0x18280] =	vst v63  }
0x59: {  	s10 =	sadd.s32 $0x700, s17;
	s28 =	sand.u32 $0x1FFFFFF0, s25;
	(v2sf) =	vpush v0, $0xB;
	s29 =	spop (v2sf)  }
0x5a: {  	s22 =	sadd.s32 s3, s28;
	s0 =	sadd.s32 $0x680, s17;
	s25 =	sand.u32 $0x1FFFFFF0, s29  }
0x5b: {  	(v2sf) =	vpush v0, $0xC;
	[tilespmem:s23], [sflag:$0x1] =	stream.linear.gather [hbm4b:s22+s16], $0x80, $0x38;
	[tilespmem:$0x18280] =	vst v63  }
0x5c: {  	s30 =	sand.u32 $0x1FFFFFF0, s31;
	s31 =	spop (v2sf);
	s28 =	sadd.s32 s3, s25  }
0x5d: {  	(v2sf) =	vpush v0, $0xD;
	[tilespmem:s26], [sflag:$0x1] =	stream.linear.gather [hbm4b:s28+s16], $0x80, $0x38;
	[tilespmem:$0x18280] =	vst v63  }
0x5e: {  	s22 =	sadd.s32 s3, s30;
	s23 =	sand.u32 $0x1FFFFFF0, s31;
	s29 =	spop (v2sf)  }
0x5f: {  	(v2sf) =	vpush v0, $0xE;
	[tilespmem:s14], [sflag:$0x1] =	stream.linear.gather [hbm4b:s22+s16], $0x80, $0x38;
	[tilespmem:$0x18280] =	vst v63  }
0x60: {  	s23 =	sadd.s32 s3, s23;
	s30 =	sand.u32 $0x1FFFFFF0, s29;
	s31 =	spop (v2sf)  }
0x61: {  	(v2sf) =	vpush v0, $0xF;
	[tilespmem:s5], [sflag:$0x1] =	stream.linear.gather [hbm4b:s23+s16], $0x80, $0x38;
	[tilespmem:$0x18280] =	vst v63  }
0x62: {  	s24 =	sand.u32 $0x1FFFFFF0, s31;
	s25 =	spop (v2sf);
	s14 =	sadd.s32 s3, s30  }
0x63: {  	[tilespmem:s21], [sflag:$0x1] =	stream.linear.gather [hbm4b:s14+s16], $0x80, $0x38;
	[tilespmem:$0x18280] =	vst v63  }
0x64: {  	s26 =	sand.u32 $0x1FFFFFF0, s25;
	s5 =	sadd.s32 s3, s24;
	s28 =	spop (v2sf)  }
0x65: {  	[tilespmem:s1], [sflag:$0x1] =	stream.linear.gather [hbm4b:s5+s16], $0x80, $0x38;
	[tilespmem:$0x18280] =	vst v63  }
0x66: {  	s14 =	sadd.s32 s3, s26;
	s29 =	sand.u32 $0x1FFFFFF0, s28;
	s30 =	spop (v2sf)  }
0x67: {  	[tilespmem:s6], [sflag:$0x1] =	stream.linear.gather [hbm4b:s14+s16], $0x80, $0x38;
	[tilespmem:$0x18280] =	vst v63  }
0x68: {  	s5 =	sand.u32 $0x1FFFFFF0, s30;
	s1 =	sadd.s32 s3, s29;
	s31 =	spop (v2sf)  }
0x69: {  	[tilespmem:s0], [sflag:$0x1] =	stream.linear.gather [hbm4b:s1+s16], $0x80, $0x38;
	[tilespmem:$0x18280] =	vst v63  }
0x6a: {  	s5 =	sadd.s32 s3, s5;
	s14 =	sand.u32 $0x1FFFFFF0, s31;
	s21 =	spop (v2sf)  }
0x6b: {  	[tilespmem:s10], [sflag:$0x1] =	stream.linear.gather [hbm4b:s5+s16], $0x80, $0x38;
	[tilespmem:$0x18280] =	vst v63  }
0x6c: {  	s0 =	sadd.s32 s3, s14;
	s1 =	sand.u32 $0x1FFFFFF0, s21;
	s22 =	spop (v2sf)  }
0x6d: {  	[tilespmem:s20], [sflag:$0x1] =	stream.linear.gather [hbm4b:s0+s16], $0x80, $0x38;
	[tilespmem:$0x18280] =	vst v63  }
0x6e: {  	s23 =	sand.u32 $0x1FFFFFF0, s22;
	s1 =	sadd.s32 s3, s1;
	s24 =	spop (v2sf)  }
0x6f: {  	[tilespmem:s18], [sflag:$0x1] =	stream.linear.gather [hbm4b:s1+s16], $0x80, $0x38;
	[tilespmem:$0x18280] =	vst v63  }
0x70: {  	s25 =	sand.u32 $0x1FFFFFF0, s24;
	s26 =	spop (v2sf);
	s0 =	sadd.s32 s3, s23  }
0x71: {  	[tilespmem:s19], [sflag:$0x1] =	stream.linear.gather [hbm4b:s0+s16], $0x80, $0x38;
	[tilespmem:$0x18280] =	vst v63  }
0x72: {  	s29 =	sadd.s32 $0x900, s17;
	s28 =	sand.u32 $0x1FFFFFF0, s26;
	s1 =	sadd.s32 s3, s25  }
0x73: {  	[tilespmem:s29], [sflag:$0x1] =	stream.linear.gather [hbm4b:s1+s16], $0x80, $0x38;
	[tilespmem:$0x18280] =	vst v63  }
0x74: {  	s30 =	sadd.s32 $0x980, s17;
	s31 =	sand.u32 $0xF0, s16;
	s0 =	sadd.s32 s3, s28  }
0x75: {  	[tilespmem:s30], [sflag:$0x1] =	stream.linear.gather [hbm4b:s0+s16], $0x80, $0x38;
	[tilespmem:$0x18280] =	vst v63  }
0x76: {  	v0 =	vld [tilespmem:s31+$0x100];
	_ =	sdelay $0x4  }
0x77: {  	v0 =	vshll.u32 v0, $0x4  }
0x78: {  	(v2sf) =	vpush v0, $0x0  }
0x79: {  	(v2sf) =	vpush v0, $0x2  }
0x7a: {  	(v2sf) =	vpush v0, $0x1;
	_ =	sdelay $0x1  }
0x7b: {  	(v2sf) =	vpush v0, $0x3  }
0x7c: {  	(v2sf) =	vpush v0, $0x4;
	_ =	sdelay $0x2  }
0x7d: {  	s17 =	simm.s32 $0x2000;
	s18 =	simm.s32 $0x10  }
.LBB2_4:
0x7e: {  	p0 =	sne.s32 s17, $0x1E000;
	(v2sf) =	vpush v0, $0x5;
	s0 =	smov.u32 s17;
	s17 =	sadd.s32 $0x2000, s17  }
0x7f: {  	s19 =	sshra.s32 s16, $0x2;
	s16 =	smov.u32 s0  }
0x80: {  	s0 =	sadd.s32 $0x8280, s19;
	(v2sf) =	vpush v0, $0x6  }
0x81: {  	s1 =	sadd.s32 $0x8200, s19  }
0x82: {  	s22 =	sadd.s32 $0x8780, s19;
	s21 =	sadd.s32 $0x8800, s19;
	s20 =	sadd.s32 $0x8880, s19;
	(v2sf) =	vpush v0, $0x7  }
0x83: {  	s25 =	sadd.s32 $0x8600, s19;
	s24 =	sadd.s32 $0x8680, s19;
	s23 =	sadd.s32 $0x8700, s19  }
0x84: {  	s5 =	sadd.s32 $0x8500, s19;
	s26 =	sadd.s32 $0x8580, s19;
	s6 =	spop (v2sf);
	(v2sf) =	vpush v0, $0x8  }
0x85: {  	s10 =	sadd.s32 $0x8300, s19;
	s6 =	sand.u32 $0x1FFFFFF0, s6;
	s14 =	spop (v2sf)  }
0x86: {  	s28 =	sadd.s32 $0x8480, s19;
	s6 =	sadd.s32 s3, s6;
	s29 =	spop (v2sf);
	(v2sf) =	vpush v0, $0x9  }
0x87: {  	[tilespmem:s1], [sflag:$0x2] =	stream.linear.gather [hbm4b:s6+s2], $0x80, $0x38;
	[tilespmem:$0x18280] =	vst v63  }
0x88: {  	s1 =	sand.u32 $0x1FFFFFF0, s29;
	s6 =	sand.u32 $0x1FFFFFF0, s14;
	s14 =	spop (v2sf);
	(v2sf) =	vpush v0, $0xA  }
0x89: {  	s29 =	sadd.s32 $0x8400, s19;
	s1 =	sadd.s32 s3, s1;
	s30 =	spop (v2sf)  }
0x8a: {  	[tilespmem:s0], [sflag:$0x2] =	stream.linear.gather [hbm4b:s1+s2], $0x80, $0x38;
	(v2sf) =	vpush v0, $0xB;
	[tilespmem:$0x18280] =	vst v63  }
0x8b: {  	s0 =	sadd.s32 s3, s6;
	s1 =	sand.u32 $0x1FFFFFF0, s14;
	s6 =	sand.u32 $0x1FFFFFF0, s30  }
0x8c: {  	[tilespmem:s10], [sflag:$0x2] =	stream.linear.gather [hbm4b:s0+s2], $0x80, $0x38;
	(v2sf) =	vpush v0, $0xC;
	[tilespmem:$0x18280] =	vst v63  }
0x8d: {  	s1 =	sadd.s32 s3, s1;
	s0 =	sadd.s32 $0x8380, s19;
	s10 =	spop (v2sf)  }
0x8e: {  	[tilespmem:s0], [sflag:$0x2] =	stream.linear.gather [hbm4b:s1+s2], $0x80, $0x38;
	(v2sf) =	vpush v0, $0xD;
	[tilespmem:$0x18280] =	vst v63  }
0x8f: {  	s0 =	sadd.s32 s3, s6;
	s1 =	sand.u32 $0x1FFFFFF0, s10;
	s6 =	spop (v2sf)  }
0x90: {  	[tilespmem:s29], [sflag:$0x2] =	stream.linear.gather [hbm4b:s0+s2], $0x80, $0x38;
	(v2sf) =	vpush v0, $0xE;
	[tilespmem:$0x18280] =	vst v63  }
0x91: {  	s0 =	sadd.s32 s3, s1;
	s1 =	sand.u32 $0x1FFFFFF0, s6;
	s6 =	spop (v2sf)  }
0x92: {  	[tilespmem:s28], [sflag:$0x2] =	stream.linear.gather [hbm4b:s0+s2], $0x80, $0x38;
	(v2sf) =	vpush v0, $0xF;
	[tilespmem:$0x18280] =	vst v63  }
0x93: {  	s0 =	sadd.s32 s3, s1;
	s1 =	sand.u32 $0x1FFFFFF0, s6;
	s6 =	spop (v2sf)  }
0x94: {  	[tilespmem:s5], [sflag:$0x2] =	stream.linear.gather [hbm4b:s0+s2], $0x80, $0x38;
	[tilespmem:$0x18280] =	vst v63  }
0x95: {  	s0 =	sadd.s32 s3, s1;
	s1 =	sand.u32 $0x1FFFFFF0, s6;
	s5 =	spop (v2sf)  }
0x96: {  	[tilespmem:s26], [sflag:$0x2] =	stream.linear.gather [hbm4b:s0+s2], $0x80, $0x38;
	[tilespmem:$0x18280] =	vst v63  }
0x97: {  	s0 =	sadd.s32 s3, s1;
	s1 =	sand.u32 $0x1FFFFFF0, s5;
	s5 =	spop (v2sf)  }
0x98: {  	[tilespmem:s25], [sflag:$0x2] =	stream.linear.gather [hbm4b:s0+s2], $0x80, $0x38;
	[tilespmem:$0x18280] =	vst v63  }
0x99: {  	s0 =	sadd.s32 s3, s1;
	s1 =	sand.u32 $0x1FFFFFF0, s5;
	s5 =	spop (v2sf)  }
0x9a: {  	[tilespmem:s24], [sflag:$0x2] =	stream.linear.gather [hbm4b:s0+s2], $0x80, $0x38;
	[tilespmem:$0x18280] =	vst v63  }
0x9b: {  	s0 =	sadd.s32 s3, s1;
	s1 =	sand.u32 $0x1FFFFFF0, s5;
	s5 =	spop (v2sf)  }
0x9c: {  	[tilespmem:s23], [sflag:$0x2] =	stream.linear.gather [hbm4b:s0+s2], $0x80, $0x38;
	[tilespmem:$0x18280] =	vst v63  }
0x9d: {  	s0 =	sadd.s32 s3, s1;
	s1 =	sand.u32 $0x1FFFFFF0, s5;
	s5 =	spop (v2sf)  }
0x9e: {  	[tilespmem:s22], [sflag:$0x2] =	stream.linear.gather [hbm4b:s0+s2], $0x80, $0x38;
	[tilespmem:$0x18280] =	vst v63  }
0x9f: {  	s0 =	sadd.s32 s3, s1;
	s1 =	sand.u32 $0x1FFFFFF0, s5;
	s5 =	spop (v2sf)  }
0xa0: {  	[tilespmem:s21], [sflag:$0x2] =	stream.linear.gather [hbm4b:s0+s2], $0x80, $0x38;
	[tilespmem:$0x18280] =	vst v63  }
0xa1: {  	s0 =	sadd.s32 s3, s1;
	s1 =	sand.u32 $0x1FFFFFF0, s5;
	s5 =	spop (v2sf)  }
0xa2: {  	[tilespmem:s20], [sflag:$0x2] =	stream.linear.gather [hbm4b:s0+s2], $0x80, $0x38;
	[tilespmem:$0x18280] =	vst v63  }
0xa3: {  	s1 =	sadd.s32 s3, s1;
	s0 =	sadd.s32 $0x8900, s19;
	s5 =	sand.u32 $0x1FFFFFF0, s5  }
0xa4: {  	[tilespmem:s0], [sflag:$0x2] =	stream.linear.gather [hbm4b:s1+s2], $0x80, $0x38;
	[tilespmem:$0x18280] =	vst v63  }
0xa5: {  	s5 =	sadd.s32 s3, s5;
	s0 =	sand.u32 $0xF0, s18;
	s1 =	sadd.s32 $0x8980, s19  }
0xa6: {  	[tilespmem:s1], [sflag:$0x2] =	stream.linear.gather [hbm4b:s5+s2], $0x80, $0x38;
	[tilespmem:$0x18280] =	vst v63  }
0xa7: {  	v0 =	vld [tilespmem:s0+$0x100];
	_ =	sdelay $0x4  }
0xa8: {  	v0 =	vshll.u32 v0, $0x4  }
0xa9: {  	(v2sf) =	vpush v0, $0x0  }
0xaa: {  	(v2sf) =	vpush v0, $0x2  }
0xab: {  	(v2sf) =	vpush v0, $0x1;
	_ =	sdelay $0x1  }
.Ltmp1:
0xac: {  	(v2sf) =	vpush v0, $0x3;
	(pc) =	sbr.rel @p0 .LBB2_4-.Ltmp1, $2  }
0xad: {  	(v2sf) =	vpush v0, $0x4;
	_ =	sdelay $0x2  }
0xae: {  	s18 =	sadd.s32 $0x10, s18  }
0xaf: {  	(v2sf) =	vpush v0, $0x5;
	_ =	sdelay $0x1  }
0xb0: {  	s16 =	sshra.s32 s16, $0x2;
	(v2sf) =	vpush v0, $0x6  }
0xb1: {  	s0 =	sadd.s32 $0x8280, s16;
	s1 =	sadd.s32 $0x8200, s16  }
0xb2: {  	s19 =	sadd.s32 $0x8780, s16;
	s18 =	sadd.s32 $0x8800, s16;
	s17 =	sadd.s32 $0x8880, s16;
	(v2sf) =	vpush v0, $0x7  }
0xb3: {  	s5 =	sadd.s32 $0x8600, s16;
	s6 =	sadd.s32 $0x8680, s16;
	s10 =	sadd.s32 $0x8700, s16  }
0xb4: {  	s14 =	sadd.s32 $0x8500, s16;
	s20 =	sadd.s32 $0x8580, s16;
	s21 =	spop (v2sf);
	(v2sf) =	vpush v0, $0x8  }
0xb5: {  	s22 =	sadd.s32 $0x8300, s16;
	s21 =	sand.u32 $0x1FFFFFF0, s21;
	s23 =	spop (v2sf)  }
0xb6: {  	s24 =	sadd.s32 $0x8480, s16;
	s21 =	sadd.s32 s3, s21;
	s25 =	spop (v2sf);
	(v2sf) =	vpush v0, $0x9  }
0xb7: {  	[tilespmem:s1], [sflag:$0x2] =	stream.linear.gather [hbm4b:s21+s2], $0x80, $0x38;
	[tilespmem:$0x18280] =	vst v63  }
0xb8: {  	s30 =	sand.u32 $0x1FFFFFF0, s23;
	s29 =	sand.u32 $0x1FFFFFF0, s25;
	s31 =	spop (v2sf);
	(v2sf) =	vpush v0, $0xA  }
0xb9: {  	s25 =	sadd.s32 $0x8400, s16;
	s1 =	sadd.s32 s3, s29;
	s26 =	spop (v2sf)  }
0xba: {  	[tilespmem:s0], [sflag:$0x2] =	stream.linear.gather [hbm4b:s1+s2], $0x80, $0x38;
	(v2sf) =	vpush v0, $0xB;
	[tilespmem:$0x18280] =	vst v63  }
0xbb: {  	s21 =	sadd.s32 s3, s30;
	s30 =	sadd.s32 $0x8380, s16;
	s28 =	sand.u32 $0x1FFFFFF0, s31  }
0xbc: {  	(v2sf) =	vpush v0, $0xC;
	[tilespmem:s22], [sflag:$0x2] =	stream.linear.gather [hbm4b:s21+s2], $0x80, $0x38;
	[tilespmem:$0x18280] =	vst v63  }
0xbd: {  	s29 =	sand.u32 $0x1FFFFFF0, s26;
	s1 =	sadd.s32 s3, s28;
	s31 =	spop (v2sf)  }
0xbe: {  	[tilespmem:s30], [sflag:$0x2] =	stream.linear.gather [hbm4b:s1+s2], $0x80, $0x38;
	(v2sf) =	vpush v0, $0xD;
	[tilespmem:$0x18280] =	vst v63  }
0xbf: {  	s21 =	sadd.s32 s3, s29;
	s22 =	sand.u32 $0x1FFFFFF0, s31;
	s23 =	spop (v2sf)  }
0xc0: {  	(v2sf) =	vpush v0, $0xE;
	[tilespmem:s25], [sflag:$0x2] =	stream.linear.gather [hbm4b:s21+s2], $0x80, $0x38;
	[tilespmem:$0x18280] =	vst v63  }
0xc1: {  	s25 =	sadd.s32 s3, s22;
	s26 =	sand.u32 $0x1FFFFFF0, s23;
	s28 =	spop (v2sf)  }
0xc2: {  	(v2sf) =	vpush v0, $0xF;
	[tilespmem:s24], [sflag:$0x2] =	stream.linear.gather [hbm4b:s25+s2], $0x80, $0x38;
	[tilespmem:$0x18280] =	vst v63  }
0xc3: {  	s29 =	sadd.s32 s3, s26;
	s30 =	sand.u32 $0x1FFFFFF0, s28;
	s31 =	spop (v2sf)  }
0xc4: {  	[tilespmem:s14], [sflag:$0x2] =	stream.linear.gather [hbm4b:s29+s2], $0x80, $0x38;
	[tilespmem:$0x18280] =	vst v63  }
0xc5: {  	s22 =	sadd.s32 s3, s30;
	s23 =	sand.u32 $0x1FFFFFF0, s31;
	s24 =	spop (v2sf)  }
0xc6: {  	[tilespmem:s20], [sflag:$0x2] =	stream.linear.gather [hbm4b:s22+s2], $0x80, $0x38;
	[tilespmem:$0x18280] =	vst v63  }
0xc7: {  	s25 =	sadd.s32 s3, s23;
	s26 =	sand.u32 $0x1FFFFFF0, s24;
	s28 =	spop (v2sf)  }
0xc8: {  	[tilespmem:s5], [sflag:$0x2] =	stream.linear.gather [hbm4b:s25+s2], $0x80, $0x38;
	[tilespmem:$0x18280] =	vst v63  }
0xc9: {  	s29 =	sadd.s32 s3, s26;
	s30 =	sand.u32 $0x1FFFFFF0, s28;
	s31 =	spop (v2sf)  }
0xca: {  	[tilespmem:s6], [sflag:$0x2] =	stream.linear.gather [hbm4b:s29+s2], $0x80, $0x38;
	[tilespmem:$0x18280] =	vst v63  }
0xcb: {  	s1 =	sadd.s32 s3, s30;
	s5 =	sand.u32 $0x1FFFFFF0, s31;
	s6 =	spop (v2sf)  }
0xcc: {  	[tilespmem:s10], [sflag:$0x2] =	stream.linear.gather [hbm4b:s1+s2], $0x80, $0x38;
	[tilespmem:$0x18280] =	vst v63  }
0xcd: {  	s14 =	sand.u32 $0x1FFFFFF0, s6;
	s10 =	sadd.s32 s3, s5;
	s20 =	spop (v2sf)  }
0xce: {  	[tilespmem:s19], [sflag:$0x2] =	stream.linear.gather [hbm4b:s10+s2], $0x80, $0x38;
	[tilespmem:$0x18280] =	vst v63  }
0xcf: {  	s21 =	sadd.s32 s3, s14;
	s22 =	sand.u32 $0x1FFFFFF0, s20;
	s23 =	spop (v2sf)  }
0xd0: {  	[tilespmem:s18], [sflag:$0x2] =	stream.linear.gather [hbm4b:s21+s2], $0x80, $0x38;
	[tilespmem:$0x18280] =	vst v63  }
0xd1: {  	s24 =	sadd.s32 s3, s22;
	s25 =	sand.u32 $0x1FFFFFF0, s23;
	s26 =	spop (v2sf)  }
0xd2: {  	[tilespmem:s17], [sflag:$0x2] =	stream.linear.gather [hbm4b:s24+s2], $0x80, $0x38;
	[tilespmem:$0x18280] =	vst v63  }
0xd3: {  	s28 =	sadd.s32 $0x8900, s16;
	s1 =	sadd.s32 s3, s25;
	s5 =	sand.u32 $0x1FFFFFF0, s26  }
0xd4: {  	[tilespmem:s28], [sflag:$0x2] =	stream.linear.gather [hbm4b:s1+s2], $0x80, $0x38;
	[tilespmem:$0x18280] =	vst v63  }
0xd5: {  	s29 =	sadd.s32 $0x8980, s16;
	s30 =	sadd.s32 s3, s5  }
0xd6: {  	[tilespmem:s29], [sflag:$0x2] =	stream.linear.gather [hbm4b:s30+s2], $0x80, $0x38;
	[tilespmem:$0x18280] =	vst v63  }
0xd7: {  	_ =	swait.ge [sflag:s11], $0x8000  }
0xd8: {  	[sflag:s11] =	ssyncset.done $0x0  }
0xd9: {  	[sflag:s11] =	ssyncadd.s32 $0xFFFF8000  }
0xda: {  	_ =	swait.ge [sflag:s12], $0x8000  }
0xdb: {  	[sflag:s12] =	ssyncset.done $0x0  }
0xdc: {  	s31 =	simm.s32 $0x0;
	[sflag:s12] =	ssyncadd.s32 $0xFFFF8000  }
0xdd: {  	v0 =	vld [tilespmem:s31+$0x10230]  }
0xde: {  	v1 =	vld [tilespmem:s31+$0x230]  }
0xdf: {  	v5 =	vld [tilespmem:s31+$0x10200]  }
0xe0: {  	v6 =	vld [tilespmem:s31+$0x200];
	_ =	sdelay $0x1  }
0xe1: {  	v4 =	vld [tilespmem:s31+$0x10210]  }
0xe2: {  	v7 =	vld [tilespmem:s31+$0x210]  }
0xe3: {  	v3 =	vld [tilespmem:s31+$0x10220];
	v0 =	vsub.f32 v0, v1  }
0xe4: {  	v2 =	vimm.f32 $0.0e+00;
	s16 =	simm.s32 $0x80;
	v8 =	vld [tilespmem:s31+$0x220];
	v10 =	vsub.f32 v5, v6;
	v5 =	vimm.f32 $0.0e+00  }
0xe5: {  	s17 =	simm.s32 $0x400;
	v6 =	vld [tilespmem:s16+$0x10230];
	v1 =	vimm.f32 $0.0e+00;
	v9 =	vmul.f32 v0, v0;
	v0 =	vimm.f32 $0.0e+00  }
.LBB2_6:
0xe6: {  	p0 =	sne.s32 s17, $0x1FE00;
	v11 =	vld [tilespmem:s16+$0x230]  }
0xe7: {  	v12 =	vld [tilespmem:s16+$0x10200];
	v10 =	vmul.f32 v10, v10;
	v7 =	vsub.f32 v4, v7;
	v2 =	vadd.f32 v9, v2  }
0xe8: {  	v9 =	vld [tilespmem:s16+$0x200]  }
.Ltmp2:
0xe9: {  	v4 =	vld [tilespmem:s16+$0x10210];
	v5 =	vadd.f32 v10, v5;
	v10 =	vmul.f32 v7, v7;
	v8 =	vsub.f32 v3, v8;
	(pc) =	sbr.rel @p0 .LBB2_6-.Ltmp2, $4  }
0xea: {  	v7 =	vld [tilespmem:s16+$0x210]  }
0xeb: {  	v3 =	vld [tilespmem:s16+$0x10220];
	v11 =	vsub.f32 v6, v11;
	v1 =	vadd.f32 v10, v1;
	v13 =	vmul.f32 v8, v8  }
0xec: {  	v8 =	vld [tilespmem:s16+$0x220];
	s16 =	sshra.s32 s17, $0x2  }
0xed: {  	s17 =	sadd.s32 $0x200, s17;
	v6 =	vld [tilespmem:s16+$0x10230];
	v10 =	vsub.f32 v12, v9;
	v9 =	vmul.f32 v11, v11;
	v0 =	vadd.f32 v13, v0  }
0xee: {  	v11 =	vld [tilespmem:s16+$0x230]  }
0xef: {  	v12 =	vld [tilespmem:s16+$0x10200]  }
0xf0: {  	v13 =	vld [tilespmem:s16+$0x200]  }
0xf1: {  	v14 =	vld [tilespmem:s16+$0x10210]  }
0xf2: {  	v15 =	vld [tilespmem:s16+$0x210]  }
0xf3: {  	v16 =	vld [tilespmem:s16+$0x10220];
	s0 =	simm.s32 $0x0;
	s1 =	rddreg [dreg:$0x4];
	s5 =	simm.s32 $0x10200  }
0xf4: {  	v17 =	vld [tilespmem:s16+$0x220];
	[tilespmem:s5], [sflag:$0x3] =	stream.linear.gather [hbm4b:s1+s0], $0x8000, $0x38  }
0xf5: {  	_ =	swait.ge [sflag:s13], $0x8000  }
0xf6: {  	[sflag:s13] =	ssyncset.done $0x0  }
0xf7: {  	[sflag:s13] =	ssyncadd.s32 $0xFFFF8000  }
0xf8: {  	_ =	swait.ge [sflag:s12], $0x8000  }
0xf9: {  	[sflag:s12] =	ssyncset.done $0x0  }
0xfa: {  	s31 =	simm.s32 $0x0;
	[sflag:s12] =	ssyncadd.s32 $0xFFFF8000  }
0xfb: {  	v10 =	vmul.f32 v10, v10;
	v4 =	vsub.f32 v4, v7;
	v7 =	vld [tilespmem:s31+$0x10230]  }
0xfc: {  	v2 =	vadd.f32 v9, v2;
	v3 =	vsub.f32 v3, v8;
	v8 =	vld [tilespmem:s31+$0x8230]  }
0xfd: {  	v9 =	vadd.f32 v10, v5;
	v4 =	vmul.f32 v4, v4;
	v5 =	vsub.f32 v6, v11;
	v10 =	vld [tilespmem:s31+$0x10200]  }
0xfe: {  	v6 =	vsub.f32 v12, v13;
	v11 =	vmul.f32 v3, v3;
	v60 =	vsub.f32 v14, v15;
	v61 =	vld [tilespmem:s31+$0x8200]  }
0xff: {  	v1 =	vadd.f32 v4, v1;
	v4 =	vmul.f32 v5, v5;
	v5 =	vsub.f32 v16, v17;
	v3 =	vld [tilespmem:s31+$0x10210]  }
0x100: {  	v11 =	vadd.f32 v11, v0;
	v0 =	vmul.f32 v6, v6;
	v12 =	vmul.f32 v60, v60;
	v6 =	vld [tilespmem:s31+$0x8210]  }
0x101: {  	v2 =	vadd.f32 v4, v2;
	v62 =	vmul.f32 v5, v5;
	v5 =	vld [tilespmem:s31+$0x10220];
	v63 =	vsub.f32 v7, v8  }
0x102: {  	s16 =	simm.s32 $0x80;
	v4 =	vadd.f32 v0, v9;
	v0 =	vadd.f32 v12, v1;
	v8 =	vld [tilespmem:s31+$0x8220]  }
0x103: {  	s17 =	simm.s32 $0x400;
	s1 =	simm.s32 $0x10200;
	v1 =	vadd.f32 v62, v11;
	v7 =	vld [tilespmem:s16+$0x10230];
	v10 =	vsub.f32 v10, v61;
	v9 =	vmul.f32 v63, v63  }
.LBB2_8:
0x104: {  	p0 =	sne.s32 s17, $0x1FE00;
	v11 =	vld [tilespmem:s16+$0x8230]  }
0x105: {  	v12 =	vld [tilespmem:s16+$0x10200];
	v10 =	vmul.f32 v10, v10;
	v6 =	vsub.f32 v3, v6;
	v2 =	vadd.f32 v9, v2  }
0x106: {  	v9 =	vld [tilespmem:s16+$0x8200]  }
.Ltmp3:
0x107: {  	v3 =	vld [tilespmem:s16+$0x10210];
	v4 =	vadd.f32 v10, v4;
	v10 =	vmul.f32 v6, v6;
	v8 =	vsub.f32 v5, v8;
	(pc) =	sbr.rel @p0 .LBB2_8-.Ltmp3, $4  }
0x108: {  	v6 =	vld [tilespmem:s16+$0x8210]  }
0x109: {  	v5 =	vld [tilespmem:s16+$0x10220];
	v11 =	vsub.f32 v7, v11;
	v0 =	vadd.f32 v10, v0;
	v13 =	vmul.f32 v8, v8  }
0x10a: {  	v8 =	vld [tilespmem:s16+$0x8220];
	s16 =	sshra.s32 s17, $0x2  }
0x10b: {  	s17 =	sadd.s32 $0x200, s17;
	v7 =	vld [tilespmem:s16+$0x10230];
	v10 =	vsub.f32 v12, v9;
	v9 =	vmul.f32 v11, v11;
	v1 =	vadd.f32 v13, v1  }
0x10c: {  	v11 =	vld [tilespmem:s16+$0x8230]  }
0x10d: {  	v12 =	vld [tilespmem:s16+$0x10200]  }
0x10e: {  	v13 =	vld [tilespmem:s16+$0x8200]  }
0x10f: {  	v14 =	vld [tilespmem:s16+$0x10210]  }
0x110: {  	v15 =	vld [tilespmem:s16+$0x8210]  }
0x111: {  	v16 =	vld [tilespmem:s16+$0x10220]  }
0x112: {  	v17 =	vld [tilespmem:s16+$0x8220]  }
0x113: {  	v10 =	vmul.f32 v10, v10  }
0x114: {  	v3 =	vsub.f32 v3, v6;
	v2 =	vadd.f32 v9, v2  }
0x115: {  	v4 =	vadd.f32 v10, v4;
	v5 =	vsub.f32 v5, v8  }
0x116: {  	v3 =	vmul.f32 v3, v3;
	v55 =	vsub.f32 v7, v11;
	v56 =	vsub.f32 v12, v13  }
0x117: {  	v5 =	vmul.f32 v5, v5;
	v57 =	vsub.f32 v14, v15;
	v58 =	vsub.f32 v16, v17  }
0x118: {  	v0 =	vadd.f32 v3, v0;
	v59 =	vmul.f32 v55, v55;
	v60 =	vmul.f32 v56, v56  }
0x119: {  	v1 =	vadd.f32 v5, v1;
	v61 =	vmul.f32 v57, v57;
	v62 =	vmul.f32 v58, v58  }
0x11a: {  	v2 =	vadd.f32 v59, v2;
	v63 =	vadd.f32 v60, v4  }
0x11b: {  	v0 =	vadd.f32 v61, v0;
	v1 =	vadd.f32 v62, v1;
	_ =	sdelay $0x1  }
0x11c: {  	v0 =	vadd.f32 v0, v63;
	v1 =	vadd.f32 v2, v1;
	_ =	sdelay $0x1  }
0x11d: {  	s15 =	sadd.s32 $0x1, s15;
	v0 =	vadd.f32 v1, v0  }
0x11e: {  	p0 =	sne.s32 s15, s8  }
.Ltmp4:
0x11f: {  	s0 =	simm.s32 $0x18200;
	[tilespmem:$0x18200] =	vst v0;
	(pc) =	sbr.rel @p0 .LBB2_1-.Ltmp4, $4  }
0x120: {  	[hbm4b:s7+s2] =	stream.linear.scatter [tilespmem:s0], [sflag:$0x4], $0x10, $0x38;
	[tilespmem:$0x18280] =	vst v63  }
0x121: {  	_ =	swait.ge [sflag:s9], $0x10  }
0x122: {  	[sflag:s9] =	ssyncset.done $0x0  }
0x123: {  	[sflag:s9] =	ssyncadd.s32 $0xFFFFFFF0  }
0x124: {  	_ =	sfence.sel $0x180000  }
0x125: {  	[bflag:$0x0] =	sbarrier.arrive $0xFFFF  }
0x126: {  	_ =	strace $0x90000047  }
0x127: {  	s0 =	stileid.u32;
	[bflag:$0x2] =	sbarrier.arrive $0xFFFF  }
0x128: {  	p0 =	sne.s32 s0, $0x0;
	s0 =	rddreg [dreg:$0x2]  }
0x129: {  	s0 =	sadd.s32 @!p0 $0x100000, s0  }
0x12a: {  	[sflag:s0] =	ssyncadd.tile.s32 @!p0 $0x1;
	_ =	shalt  }
.Lfunc_end2:
_tile_overlayer_lowered:
.L_overlay_start_2:
0x12b: {  	(tag) =	ssettag $0x2  }
0x12c: {  	s0 =	rddreg [dreg:$0x0];
	s2 =	stileid.u32  }
0x12d: {  	s1 =	rddreg [dreg:$0x1];
	p0 =	sne.s32 s2, $0x0  }
0x12e: {  	s3 =	rddreg [dreg:$0x2];
	[bflag:$0x3] =	sbarrier.arrive $0xFFFF;
	s2 =	simm.s32 @!p0 $0x1C04  }
0x12f: {  	[timem:s3], [sflag:s2] =	dma.local @!p0 [hbm:s0], s1  }
0x130: {  	s0 =	simm.s32 @!p0 $0x4  }
0x131: {  	_ =	swait.ge @!p0 [sflag:s0], s1  }
0x132: {  	s1 =	ssub.s32 @!p0 $0x0, s1;
	[sflag:s0] =	ssyncset.done @!p0 $0x0  }
0x133: {  	[sflag:s0] =	ssyncadd.s32 @!p0 s1  }
0x134: {  	[bflag:$0x3] =	sbarrier.arrive $0xFFFF  }
0x135: {  	_ =	shalt  }

</sc_bundles>
